<compile_context>
chip_gen: v7x
topology: tpu7x:2x2x1
jax: 0.10.2.dev20260603
libtpu: 0.0.44.dev20260713+nightly
codegen_flags: <defaults>
</compile_context>

<pallas_src>
import jax
import jax.numpy as jnp
from jax import lax
from jax.experimental import pallas as pl
from jax.experimental.pallas import tpu as pltpu
from jax.experimental.pallas import tpu_sc as plsc

N_NODES = 10000
N_EDGES = 320000
D = 128
BN = 1000
CH = 80
NC, NS = 2, 16
NW = NC * NS
NCHUNK = N_EDGES // CH
CPW = NCHUNK // NW
SB = 5
NSB = CPW // SB
N_AGG = 10112
RPT = N_AGG // NS


def _s1_body(x_ref, vt_ref, wax_ref, wbx_ref, ne_ref, wae_ref, wbe_ref,
             bm_ref, ab_ref):
    oh = (vt_ref[...] ==
          lax.broadcasted_iota(jnp.int32, (1, 8), 1).astype(jnp.float32)
          ).astype(jnp.float32)
    ca = jnp.dot(ne_ref[...], wae_ref[...], preferred_element_type=jnp.float32)
    cb = jnp.dot(ne_ref[...], wbe_ref[...], preferred_element_type=jnp.float32)
    xb = x_ref[...]
    ab_ref[0] = (jnp.dot(xb, wax_ref[...], preferred_element_type=jnp.float32)
                 + jnp.dot(oh, ca, preferred_element_type=jnp.float32))
    ab_ref[1] = (jnp.dot(xb, wbx_ref[...], preferred_element_type=jnp.float32)
                 + jnp.dot(oh, cb, preferred_element_type=jnp.float32)
                 + bm_ref[...])


def _stage1(x, vtf, wax, wbx, ne8, wae16, wbe16, bm):
    row = pl.BlockSpec((BN, D), lambda i: (i, 0))
    full = lambda shape: pl.BlockSpec(shape, lambda i: tuple(0 for _ in shape))
    return pl.pallas_call(
        _s1_body,
        grid=(N_NODES // BN,),
        in_specs=[row, pl.BlockSpec((BN, 1), lambda i: (i, 0)),
                  full((D, D)), full((D, D)), full((8, 16)),
                  full((16, D)), full((16, D)), full((1, D))],
        out_specs=pl.BlockSpec((2, BN, D), lambda i: (0, i, 0)),
        out_shape=jax.ShapeDtypeStruct((2, N_NODES, D), jnp.float32),
    )(x, vtf, wax, wbx, ne8, wae16, wbe16, bm)


def _sc_edge_body(ab_hbm, idx_hbm, out_hbm,
                  idx_v, ab_v, agg_sh, sem_g, sem_b, sem_s, sem_i):
    c = lax.axis_index("c")
    s = lax.axis_index("s")
    w = s * NC + c
    row0 = s * RPT
    @plsc.parallel_loop(0, CH, unroll=8)
    def zero_body(r):
        for g in range(8):
            ab_v[0, r, pl.ds(g * 16, 16)] = jnp.zeros((16,), jnp.float32)

    for k in range(7):
        pltpu.sync_copy(ab_v.at[0, pl.ds(0, 80)],
                        agg_sh.at[pl.ds(row0 + k * 80, 80)])
    pltpu.sync_copy(ab_v.at[0, pl.ds(0, 72)],
                    agg_sh.at[pl.ds(row0 + 560, 72)])
    plsc.subcore_barrier()

    def drain_scatter(slot):
        pltpu.make_async_copy(ab_v.at[slot],
                              agg_sh.at[idx_v.at[0, 0, 2]],
                              sem_s.at[slot]).wait()

    def blk_j(i):
        return lax.rem(i // SB, 2), lax.rem(i, SB)

    def start_a(i):
        slot = lax.rem(i, 4)
        blk, j = blk_j(i)

        @pl.when(i >= 4)
        def _():
            drain_scatter(slot)

        pltpu.async_copy(ab_hbm.at[idx_v.at[blk, j, 0]], ab_v.at[slot],
                         sem_g.at[slot])

    def start_b(i):
        slot = lax.rem(i, 4)
        blk, j = blk_j(i)
        pltpu.make_async_copy(ab_hbm.at[idx_v.at[blk, j, 0]], ab_v.at[slot],
                              sem_g.at[slot]).wait()
        pltpu.async_copy(ab_hbm.at[idx_v.at[blk, j, 1]], ab_v.at[slot],
                         sem_b.at[slot], add=True)

    pltpu.sync_copy(idx_hbm.at[w, 0], idx_v.at[0])
    start_a(0)
    start_a(1)
    start_b(0)

    def chunk_body(i, carry):
        slot = lax.rem(i, 4)
        blk, j = blk_j(i)

        @pl.when((j == SB - 3) & (i + 3 < CPW))
        def _():
            pltpu.async_copy(idx_hbm.at[w, i // SB + 1],
                             idx_v.at[1 - blk], sem_i)

        @pl.when((j == SB - 2) & (i + 2 < CPW))
        def _():
            pltpu.make_async_copy(idx_hbm.at[w, 0], idx_v.at[1 - blk],
                                  sem_i).wait()

        @pl.when(i + 2 < CPW)
        def _():
            start_a(i + 2)

        @pl.when(i + 1 < CPW)
        def _():
            start_b(i + 1)

        pltpu.make_async_copy(ab_hbm.at[idx_v.at[blk, j, 1]], ab_v.at[slot],
                              sem_b.at[slot]).wait()

        @plsc.parallel_loop(0, CH, unroll=8)
        def row_body(r):
            for g in range(8):
                sl = pl.ds(g * 16, 16)
                ab_v[slot, r, sl] = jnp.maximum(ab_v[slot, r, sl], 0.0)

        pltpu.async_copy(ab_v.at[slot], agg_sh.at[idx_v.at[blk, j, 2]],
                         sem_s.at[slot], add=True)
        return carry

    lax.fori_loop(0, CPW, chunk_body, 0)
    drain_scatter(0)
    drain_scatter(1)
    drain_scatter(2)
    drain_scatter(3)
    plsc.subcore_barrier()
    pltpu.sync_copy(agg_sh.at[pl.ds(row0, RPT)],
                    out_hbm.at[c, pl.ds(row0, RPT)])


def _stage2(ab_flat, idx3):
    mesh = plsc.VectorSubcoreMesh(core_axis_name="c", subcore_axis_name="s")
    k = pl.kernel(
        _sc_edge_body,
        out_type=jax.ShapeDtypeStruct((NC, N_AGG, D), jnp.float32),
        mesh=mesh,
        scratch_types=[
            pltpu.VMEM((2, SB, 3, CH), jnp.int32),
            pltpu.VMEM((4, CH, D), jnp.float32),
            pltpu.VMEM_SHARED((N_AGG, D), jnp.float32),
            pltpu.SemaphoreType.DMA((4,)),
            pltpu.SemaphoreType.DMA((4,)),
            pltpu.SemaphoreType.DMA((4,)),
            pltpu.SemaphoreType.DMA,
        ],
    )
    return k(ab_flat, idx3)


def _s3a_body(x_ref, vt_ref, wux_ref, ne_ref, wue_ref, bu_ref, p_ref):
    oh = (vt_ref[...] ==
          lax.broadcasted_iota(jnp.int32, (1, 8), 1).astype(jnp.float32)
          ).astype(jnp.float32)
    cu = jnp.dot(ne_ref[...], wue_ref[...], preferred_element_type=jnp.float32)
    p_ref[...] = (jnp.dot(x_ref[...], wux_ref[...],
                          preferred_element_type=jnp.float32)
                  + jnp.dot(oh, cu, preferred_element_type=jnp.float32)
                  + bu_ref[...])


def _stage3a(x, vtf, wux, ne8, wue16, bu):
    row = pl.BlockSpec((BN, D), lambda i: (i, 0))
    full = lambda shape: pl.BlockSpec(shape, lambda i: tuple(0 for _ in shape))
    return pl.pallas_call(
        _s3a_body,
        grid=(N_NODES // BN,),
        in_specs=[row, pl.BlockSpec((BN, 1), lambda i: (i, 0)),
                  full((D, D)), full((8, 16)), full((16, D)), full((1, D))],
        out_specs=row,
        out_shape=jax.ShapeDtypeStruct((N_NODES, D), jnp.float32),
    )(x, vtf, wux, ne8, wue16, bu)


def _s3b_body(p_ref, agg_ref, wua_ref, wo_ref, o_ref):
    agg = agg_ref[0] + agg_ref[1]
    u = jnp.maximum(
        p_ref[...] + jnp.dot(agg, wua_ref[...],
                             preferred_element_type=jnp.float32), 0.0)
    o_ref[...] = jnp.dot(u, wo_ref[...], preferred_element_type=jnp.float32)


def _stage3b(p, aggp, wua, wo_pad):
    row = pl.BlockSpec((BN, D), lambda i: (i, 0))
    full = lambda shape: pl.BlockSpec(shape, lambda i: tuple(0 for _ in shape))
    return pl.pallas_call(
        _s3b_body,
        grid=(N_NODES // BN,),
        in_specs=[row, pl.BlockSpec((NC, BN, D), lambda i: (0, i, 0)),
                  full((D, D)), full((D, D))],
        out_specs=row,
        out_shape=jax.ShapeDtypeStruct((N_NODES, D), jnp.float32),
    )(p, aggp, wua, wo_pad)


def kernel(x, edge_index, vertex_type, node_emb, W_msg, b_msg, W_upd, b_upd,
           W_out):
    f32 = jnp.float32
    wax = W_msg[0:128]
    wae16 = jnp.zeros((16, D), f32).at[0:9].set(W_msg[128:137])
    wbx = W_msg[137:265]
    wbe16 = jnp.zeros((16, D), f32).at[0:9].set(W_msg[265:274])
    wux = W_upd[0:128]
    wue16 = jnp.zeros((16, D), f32).at[0:9].set(W_upd[128:137])
    wua = W_upd[137:265]
    ne8 = jnp.zeros((8, 16), f32).at[0:4, 0:9].set(node_emb)
    wo_pad = jnp.zeros((D, D), f32).at[:, 0:3].set(W_out)
    bm = (b_msg.astype(f32)).reshape(1, D)
    bu = (b_upd.astype(f32)).reshape(1, D)

    vtf = vertex_type.astype(f32).reshape(N_NODES, 1)
    src = edge_index[0].reshape(NCHUNK, 1, CH)
    dst = edge_index[1].reshape(NCHUNK, 1, CH)
    idx3 = jnp.concatenate([src, dst + N_NODES, dst],
                           axis=1).reshape(NW, NSB, SB, 3, CH)
    ab = _stage1(x, vtf, wax, wbx, ne8, wae16, wbe16, bm)
    aggp = _stage2(ab.reshape(2 * N_NODES, D), idx3)
    p = _stage3a(x, vtf, wux, ne8, wue16, bu)
    out_full = _stage3b(p, aggp, wua, wo_pad)
    return out_full[:, 0:3]

# --- scband reference (transcript-rebuilt; emitter-appended) ---
"""Pipeline reference for scband-model-25709674234168 (READ-ONLY COPY).

The authoritative reference and input builder live on the scoring server;
editing this copy changes nothing except your own understanding.
"""

import jax, jax.numpy as jnp
import numpy as np

N_NODES = 10000
N_EDGES = 320000
D_FEAT = 128
NODETYPE_SIZE = 9  # common.NodeType.SIZE in MeshGraphNets-style code
N_VERTEX_TYPES = 4


def setup_inputs(seed: int = 0) -> dict:
    key = jax.random.key(seed)
    ks = jax.random.split(key, 10)
    x = jax.random.normal(ks[0], (N_NODES, D_FEAT), dtype=jnp.float32)
    edge_index = jax.random.randint(ks[1], (2, N_EDGES), 0, N_NODES, dtype=jnp.int32)
    vertex_type = jax.random.randint(ks[2], (N_NODES,), 0, N_VERTEX_TYPES, dtype=jnp.int32)
    # learned parameters
    h_dim = D_FEAT + NODETYPE_SIZE
    node_emb = jax.random.normal(ks[3], (N_VERTEX_TYPES, NODETYPE_SIZE), dtype=jnp.float32) * 0.1
    W_msg = jax.random.normal(ks[4], (2 * h_dim, D_FEAT), dtype=jnp.float32) * (1.0 / np.sqrt(2 * h_dim))
    b_msg = jnp.zeros((D_FEAT,), dtype=jnp.float32)
    W_upd = jax.random.normal(ks[5], (h_dim + D_FEAT, D_FEAT), dtype=jnp.float32) * (1.0 / np.sqrt(h_dim + D_FEAT))
    b_upd = jnp.zeros((D_FEAT,), dtype=jnp.float32)
    W_out = jax.random.normal(ks[6], (D_FEAT, 3), dtype=jnp.float32) * (1.0 / np.sqrt(D_FEAT))
    return {
        'x': x,
        'edge_index': edge_index,
        'vertex_type': vertex_type,
        'node_emb': node_emb,
        'W_msg': W_msg,
        'b_msg': b_msg,
        'W_upd': W_upd,
        'b_upd': b_upd,
        'W_out': W_out,
    }


def _embed(labels, emb_table):
    # faithful to Model.embed: emb_matrix @ one_hot(labels).T, then transpose
    emb_matrix = emb_table.T  # [emb_dim, num_embeddings]
    if labels.ndim == 2 and labels.shape[1] == 1:
        labels = labels[:, 0]
    labels_onehot = jax.nn.one_hot(labels, emb_matrix.shape[1], dtype=jnp.float32).T
    embedding = emb_matrix @ labels_onehot
    return embedding.T


def reference(x, edge_index, vertex_type, node_emb, W_msg, b_msg, W_upd, b_upd, W_out):
    # node-type embedding lookup (via one-hot matmul as in the original module)
    emb = _embed(vertex_type, node_emb)                   # [N, NODETYPE_SIZE]
    h = jnp.concatenate([x, emb], axis=-1)                # [N, h_dim]
    src = edge_index[0]
    dst = edge_index[1]
    # gather endpoint features (memory-bound)
    h_src = jnp.take(h, src, axis=0)                      # [E, h_dim]
    h_dst = jnp.take(h, dst, axis=0)                      # [E, h_dim]
    msg_in = jnp.concatenate([h_src, h_dst], axis=-1)     # [E, 2*h_dim]
    m = jax.nn.relu(msg_in @ W_msg + b_msg)               # [E, D_FEAT]
    # scatter-add aggregation to destination nodes
    agg = jax.ops.segment_sum(m, dst, num_segments=N_NODES)  # [N, D_FEAT]
    upd_in = jnp.concatenate([h, agg], axis=-1)
    upd = jax.nn.relu(upd_in @ W_upd + b_upd)             # [N, D_FEAT]
    out = upd @ W_out                                     # [N, 3] (acceleration, matches output normalizer size=3)
    return out


if False:  # reference __main__ guard neutralized (emitter)
    inp = setup_inputs()
    o = reference(**inp)
    print(o.shape, o.dtype)

if __name__ == "__main__":
    import jax
    _d = setup_inputs()
    print(jax.jit(kernel)(*tuple(_d.values())))

</pallas_src>

<mosaic_0001>
#map = affine_map<(d0, d1) -> (0, 0)>
#map1 = affine_map<(d0, d1) -> (0, 0, 0, 0, 0)>
#map2 = affine_map<(d0, d1) -> (0, 0, 0)>
module attributes {stable_mosaic.version = 14 : i64} {
  func.func @_sc_edge_body(%arg0: i32, %arg1: i32, %arg2: memref<20000x128xf32, #tpu.memory_space<hbm>>, %arg3: memref<32x25x5x3x80xi32, #tpu.memory_space<hbm>>, %arg4: memref<2x10112x128xf32, #tpu.memory_space<hbm>>, %arg5: memref<2x5x3x80xi32, #tpu.memory_space<vmem>>, %arg6: memref<4x80x128xf32, #tpu.memory_space<vmem>>, %arg7: memref<10112x128xf32, #tpu.memory_space<vmem_shared>>, %arg8: memref<4x!tpu.dma_semaphore, #tpu.memory_space<semaphore_mem>>, %arg9: memref<4x!tpu.dma_semaphore, #tpu.memory_space<semaphore_mem>>, %arg10: memref<4x!tpu.dma_semaphore, #tpu.memory_space<semaphore_mem>>, %arg11: memref<!tpu.dma_semaphore, #tpu.memory_space<semaphore_mem>>) attributes {dimension_semantics = [#tpu.dimension_semantics<core_parallel>, #tpu.dimension_semantics<subcore_parallel>], iteration_bounds = array<i64: 2, 16>, scalar_prefetch = 0 : i64, scratch_operands = 7 : i64, tpu.core_type = #tpu.core_type<sc_vector_subcore>, window_params = [{transform_indices = #map}, {transform_indices = #map1}, {transform_indices = #map2}]} {
    %mul3A = arith.constant 2 : i32
    %mul3A_0 = arith.muli %arg1, %mul3A : i32
    %add3A = arith.addi %mul3A_0, %arg0 : i32
    %mul3A_1 = arith.constant 632 : i32
    %mul3A_2 = arith.muli %arg1, %mul3A_1 : i32
    %parallel_loop3A = arith.constant 0 : i32
    %parallel_loop3A_3 = arith.constant 80 : i32
    %parallel_loop3A_4 = arith.constant 1 : i32
    scf.for %parallel_loop3A_180 = %parallel_loop3A to %parallel_loop3A_3 step %parallel_loop3A_4  : i32 {
      %parallel_loop3A_181 = arith.constant 0.000000e+00 : f32
      %parallel_loop3A_182 = vector.broadcast %parallel_loop3A_181 : f32 to vector<16xf32>
      %parallel_loop3A_183 = arith.constant 0 : i32
      %parallel_loop3A_184 = arith.index_cast %parallel_loop3A_183 : i32 to index
      %parallel_loop3A_185 = arith.index_cast %parallel_loop3A_180 : i32 to index
      %parallel_loop3A_186 = arith.constant 0 : index
      %parallel_loop3A_187 = tpu.vector_load %arg6[%parallel_loop3A_184, %parallel_loop3A_185, %parallel_loop3A_186] {strides = array<i32>} : memref<4x80x128xf32, #tpu.memory_space<vmem>>, vector<1x1x16xf32>,
      %parallel_loop3A_188 = vector.shape_cast %parallel_loop3A_187 : vector<1x1x16xf32> to vector<16xf32>
      %parallel_loop3A_189 = vector.shape_cast %parallel_loop3A_182 : vector<16xf32> to vector<1x1x16xf32>
      tpu.vector_store %arg6[%parallel_loop3A_184, %parallel_loop3A_185, %parallel_loop3A_186], %parallel_loop3A_189 {strides = array<i32>} : memref<4x80x128xf32, #tpu.memory_space<vmem>>, vector<1x1x16xf32>,
      %parallel_loop3A_190 = arith.constant 0.000000e+00 : f32
      %parallel_loop3A_191 = vector.broadcast %parallel_loop3A_190 : f32 to vector<16xf32>
      %parallel_loop3A_192 = arith.constant 0 : i32
      %parallel_loop3A_193 = arith.index_cast %parallel_loop3A_192 : i32 to index
      %parallel_loop3A_194 = arith.index_cast %parallel_loop3A_180 : i32 to index
      %parallel_loop3A_195 = arith.constant 16 : index
      %parallel_loop3A_196 = tpu.vector_load %arg6[%parallel_loop3A_193, %parallel_loop3A_194, %parallel_loop3A_195] {strides = array<i32>} : memref<4x80x128xf32, #tpu.memory_space<vmem>>, vector<1x1x16xf32>,
      %parallel_loop3A_197 = vector.shape_cast %parallel_loop3A_196 : vector<1x1x16xf32> to vector<16xf32>
      %parallel_loop3A_198 = vector.shape_cast %parallel_loop3A_191 : vector<16xf32> to vector<1x1x16xf32>
      tpu.vector_store %arg6[%parallel_loop3A_193, %parallel_loop3A_194, %parallel_loop3A_195], %parallel_loop3A_198 {strides = array<i32>} : memref<4x80x128xf32, #tpu.memory_space<vmem>>, vector<1x1x16xf32>,
      %parallel_loop3A_199 = arith.constant 0.000000e+00 : f32
      %parallel_loop3A_200 = vector.broadcast %parallel_loop3A_199 : f32 to vector<16xf32>
      %parallel_loop3A_201 = arith.constant 0 : i32
      %parallel_loop3A_202 = arith.index_cast %parallel_loop3A_201 : i32 to index
      %parallel_loop3A_203 = arith.index_cast %parallel_loop3A_180 : i32 to index
      %parallel_loop3A_204 = arith.constant 32 : index
      %parallel_loop3A_205 = tpu.vector_load %arg6[%parallel_loop3A_202, %parallel_loop3A_203, %parallel_loop3A_204] {strides = array<i32>} : memref<4x80x128xf32, #tpu.memory_space<vmem>>, vector<1x1x16xf32>,
      %parallel_loop3A_206 = vector.shape_cast %parallel_loop3A_205 : vector<1x1x16xf32> to vector<16xf32>
      %parallel_loop3A_207 = vector.shape_cast %parallel_loop3A_200 : vector<16xf32> to vector<1x1x16xf32>
      tpu.vector_store %arg6[%parallel_loop3A_202, %parallel_loop3A_203, %parallel_loop3A_204], %parallel_loop3A_207 {strides = array<i32>} : memref<4x80x128xf32, #tpu.memory_space<vmem>>, vector<1x1x16xf32>,
      %parallel_loop3A_208 = arith.constant 0.000000e+00 : f32
      %parallel_loop3A_209 = vector.broadcast %parallel_loop3A_208 : f32 to vector<16xf32>
      %parallel_loop3A_210 = arith.constant 0 : i32
      %parallel_loop3A_211 = arith.index_cast %parallel_loop3A_210 : i32 to index
      %parallel_loop3A_212 = arith.index_cast %parallel_loop3A_180 : i32 to index
      %parallel_loop3A_213 = arith.constant 48 : index
      %parallel_loop3A_214 = tpu.vector_load %arg6[%parallel_loop3A_211, %parallel_loop3A_212, %parallel_loop3A_213] {strides = array<i32>} : memref<4x80x128xf32, #tpu.memory_space<vmem>>, vector<1x1x16xf32>,
      %parallel_loop3A_215 = vector.shape_cast %parallel_loop3A_214 : vector<1x1x16xf32> to vector<16xf32>
      %parallel_loop3A_216 = vector.shape_cast %parallel_loop3A_209 : vector<16xf32> to vector<1x1x16xf32>
      tpu.vector_store %arg6[%parallel_loop3A_211, %parallel_loop3A_212, %parallel_loop3A_213], %parallel_loop3A_216 {strides = array<i32>} : memref<4x80x128xf32, #tpu.memory_space<vmem>>, vector<1x1x16xf32>,
      %parallel_loop3A_217 = arith.constant 0.000000e+00 : f32
      %parallel_loop3A_218 = vector.broadcast %parallel_loop3A_217 : f32 to vector<16xf32>
      %parallel_loop3A_219 = arith.constant 0 : i32
      %parallel_loop3A_220 = arith.index_cast %parallel_loop3A_219 : i32 to index
      %parallel_loop3A_221 = arith.index_cast %parallel_loop3A_180 : i32 to index
      %parallel_loop3A_222 = arith.constant 64 : index
      %parallel_loop3A_223 = tpu.vector_load %arg6[%parallel_loop3A_220, %parallel_loop3A_221, %parallel_loop3A_222] {strides = array<i32>} : memref<4x80x128xf32, #tpu.memory_space<vmem>>, vector<1x1x16xf32>,
      %parallel_loop3A_224 = vector.shape_cast %parallel_loop3A_223 : vector<1x1x16xf32> to vector<16xf32>
      %parallel_loop3A_225 = vector.shape_cast %parallel_loop3A_218 : vector<16xf32> to vector<1x1x16xf32>
      tpu.vector_store %arg6[%parallel_loop3A_220, %parallel_loop3A_221, %parallel_loop3A_222], %parallel_loop3A_225 {strides = array<i32>} : memref<4x80x128xf32, #tpu.memory_space<vmem>>, vector<1x1x16xf32>,
      %parallel_loop3A_226 = arith.constant 0.000000e+00 : f32
      %parallel_loop3A_227 = vector.broadcast %parallel_loop3A_226 : f32 to vector<16xf32>
      %parallel_loop3A_228 = arith.constant 0 : i32
      %parallel_loop3A_229 = arith.index_cast %parallel_loop3A_228 : i32 to index
      %parallel_loop3A_230 = arith.index_cast %parallel_loop3A_180 : i32 to index
      %parallel_loop3A_231 = arith.constant 80 : index
      %parallel_loop3A_232 = tpu.vector_load %arg6[%parallel_loop3A_229, %parallel_loop3A_230, %parallel_loop3A_231] {strides = array<i32>} : memref<4x80x128xf32, #tpu.memory_space<vmem>>, vector<1x1x16xf32>,
      %parallel_loop3A_233 = vector.shape_cast %parallel_loop3A_232 : vector<1x1x16xf32> to vector<16xf32>
      %parallel_loop3A_234 = vector.shape_cast %parallel_loop3A_227 : vector<16xf32> to vector<1x1x16xf32>
      tpu.vector_store %arg6[%parallel_loop3A_229, %parallel_loop3A_230, %parallel_loop3A_231], %parallel_loop3A_234 {strides = array<i32>} : memref<4x80x128xf32, #tpu.memory_space<vmem>>, vector<1x1x16xf32>,
      %parallel_loop3A_235 = arith.constant 0.000000e+00 : f32
      %parallel_loop3A_236 = vector.broadcast %parallel_loop3A_235 : f32 to vector<16xf32>
      %parallel_loop3A_237 = arith.constant 0 : i32
      %parallel_loop3A_238 = arith.index_cast %parallel_loop3A_237 : i32 to index
      %parallel_loop3A_239 = arith.index_cast %parallel_loop3A_180 : i32 to index
      %parallel_loop3A_240 = arith.constant 96 : index
      %parallel_loop3A_241 = tpu.vector_load %arg6[%parallel_loop3A_238, %parallel_loop3A_239, %parallel_loop3A_240] {strides = array<i32>} : memref<4x80x128xf32, #tpu.memory_space<vmem>>, vector<1x1x16xf32>,
      %parallel_loop3A_242 = vector.shape_cast %parallel_loop3A_241 : vector<1x1x16xf32> to vector<16xf32>
      %parallel_loop3A_243 = vector.shape_cast %parallel_loop3A_236 : vector<16xf32> to vector<1x1x16xf32>
      tpu.vector_store %arg6[%parallel_loop3A_238, %parallel_loop3A_239, %parallel_loop3A_240], %parallel_loop3A_243 {strides = array<i32>} : memref<4x80x128xf32, #tpu.memory_space<vmem>>, vector<1x1x16xf32>,
      %parallel_loop3A_244 = arith.constant 0.000000e+00 : f32
      %parallel_loop3A_245 = vector.broadcast %parallel_loop3A_244 : f32 to vector<16xf32>
      %parallel_loop3A_246 = arith.constant 0 : i32
      %parallel_loop3A_247 = arith.index_cast %parallel_loop3A_246 : i32 to index
      %parallel_loop3A_248 = arith.index_cast %parallel_loop3A_180 : i32 to index
      %parallel_loop3A_249 = arith.constant 112 : index
      %parallel_loop3A_250 = tpu.vector_load %arg6[%parallel_loop3A_247, %parallel_loop3A_248, %parallel_loop3A_249] {strides = array<i32>} : memref<4x80x128xf32, #tpu.memory_space<vmem>>, vector<1x1x16xf32>,
      %parallel_loop3A_251 = vector.shape_cast %parallel_loop3A_250 : vector<1x1x16xf32> to vector<16xf32>
      %parallel_loop3A_252 = vector.shape_cast %parallel_loop3A_245 : vector<16xf32> to vector<1x1x16xf32>
      tpu.vector_store %arg6[%parallel_loop3A_247, %parallel_loop3A_248, %parallel_loop3A_249], %parallel_loop3A_252 {strides = array<i32>} : memref<4x80x128xf32, #tpu.memory_space<vmem>>, vector<1x1x16xf32>,
    } {sc.loop_unroll_factor = 8 : i64, sc.parallel_access}
    %add3A_5 = arith.constant 0 : i32
    %add3A_6 = arith.addi %mul3A_2, %add3A_5 : i32
    %run_scoped3A = arith.constant 0 : i32
    "tpu.region"() ({
      %run_scoped3A_180 = tpu.sem_alloc : memref<!tpu.dma_semaphore, #tpu.memory_space<semaphore_mem>>
      %dma_start3A_181 = arith.constant 0 : i32
      %dma_start3A_182 = arith.constant 0 : i32
      %dma_start3A_183 = tpu.memref_slice %arg6[%run_scoped3A, %dma_start3A_181, %dma_start3A_182] : memref<4x80x128xf32, #tpu.memory_space<vmem>> -> memref<1x80x128xf32, #tpu.memory_space<vmem>>
      %dma_start3A_184 = tpu.memref_squeeze %dma_start3A_183 : memref<1x80x128xf32, #tpu.memory_space<vmem>> -> memref<80x128xf32, #tpu.memory_space<vmem>>
      %dma_start3A_185 = arith.constant 0 : i32
      %dma_start3A_186 = tpu.memref_slice %arg7[%add3A_6, %dma_start3A_185] : memref<10112x128xf32, #tpu.memory_space<vmem_shared>> -> memref<80x128xf32, #tpu.memory_space<vmem_shared>>
      %dma_start3A_187 = arith.constant 0 : i32
      %dma_start3A_188 = tpu.memref_slice %arg7[%add3A_6, %dma_start3A_187] : memref<10112x128xf32, #tpu.memory_space<vmem_shared>> -> memref<80x128xf32, #tpu.memory_space<vmem_shared>>
      %dma_start3A_189 = arith.constant 0 : i32
      %dma_start3A_190 = arith.constant 0 : i32
      %dma_start3A_191 = tpu.memref_slice %arg6[%run_scoped3A, %dma_start3A_189, %dma_start3A_190] : memref<4x80x128xf32, #tpu.memory_space<vmem>> -> memref<1x80x128xf32, #tpu.memory_space<vmem>>
      %dma_start3A_192 = tpu.memref_squeeze %dma_start3A_191 : memref<1x80x128xf32, #tpu.memory_space<vmem>> -> memref<80x128xf32, #tpu.memory_space<vmem>>
      tpu.enqueue_dma source(%dma_start3A_192 : memref<80x128xf32, #tpu.memory_space<vmem>>) target(%dma_start3A_188 : memref<80x128xf32, #tpu.memory_space<vmem_shared>>) target_semaphore(%run_scoped3A_180 : memref<!tpu.dma_semaphore, #tpu.memory_space<semaphore_mem>>)
      %dma_wait3A_193 = arith.constant 0 : i32
      %dma_wait3A_194 = arith.constant 0 : i32
      %dma_wait3A_195 = tpu.memref_slice %arg6[%run_scoped3A, %dma_wait3A_193, %dma_wait3A_194] : memref<4x80x128xf32, #tpu.memory_space<vmem>> -> memref<1x80x128xf32, #tpu.memory_space<vmem>>
      %dma_wait3A_196 = tpu.memref_squeeze %dma_wait3A_195 : memref<1x80x128xf32, #tpu.memory_space<vmem>> -> memref<80x128xf32, #tpu.memory_space<vmem>>
      %dma_wait3A_197 = arith.constant 0 : i32
      %dma_wait3A_198 = tpu.memref_slice %arg7[%add3A_6, %dma_wait3A_197] : memref<10112x128xf32, #tpu.memory_space<vmem_shared>> -> memref<80x128xf32, #tpu.memory_space<vmem_shared>>
      %dma_wait3A_199 = arith.constant 0 : i32
      %dma_wait3A_200 = tpu.memref_slice %arg7[%add3A_6, %dma_wait3A_199] : memref<10112x128xf32, #tpu.memory_space<vmem_shared>> -> memref<80x128xf32, #tpu.memory_space<vmem_shared>>
      %dma_wait3A_201 = arith.constant 0 : i32
      %dma_wait3A_202 = arith.constant 0 : i32
      %dma_wait3A_203 = tpu.memref_slice %arg6[%run_scoped3A, %dma_wait3A_201, %dma_wait3A_202] : memref<4x80x128xf32, #tpu.memory_space<vmem>> -> memref<1x80x128xf32, #tpu.memory_space<vmem>>
      %dma_wait3A_204 = tpu.memref_squeeze %dma_wait3A_203 : memref<1x80x128xf32, #tpu.memory_space<vmem>> -> memref<80x128xf32, #tpu.memory_space<vmem>>
      tpu.wait_dma2 semaphore(%run_scoped3A_180 : memref<!tpu.dma_semaphore, #tpu.memory_space<semaphore_mem>>) src(%dma_wait3A_204 : memref<80x128xf32, #tpu.memory_space<vmem>>) dst(%dma_wait3A_200 : memref<80x128xf32, #tpu.memory_space<vmem_shared>>)
      tpu.yield
    }) : () -> ()
    %add3A_7 = arith.constant 80 : i32
    %add3A_8 = arith.addi %mul3A_2, %add3A_7 : i32
    %run_scoped3A_9 = arith.constant 0 : i32
    "tpu.region"() ({
      %run_scoped3A_180 = tpu.sem_alloc : memref<!tpu.dma_semaphore, #tpu.memory_space<semaphore_mem>>
      %dma_start3A_181 = arith.constant 0 : i32
      %dma_start3A_182 = arith.constant 0 : i32
      %dma_start3A_183 = tpu.memref_slice %arg6[%run_scoped3A_9, %dma_start3A_181, %dma_start3A_182] : memref<4x80x128xf32, #tpu.memory_space<vmem>> -> memref<1x80x128xf32, #tpu.memory_space<vmem>>
      %dma_start3A_184 = tpu.memref_squeeze %dma_start3A_183 : memref<1x80x128xf32, #tpu.memory_space<vmem>> -> memref<80x128xf32, #tpu.memory_space<vmem>>
      %dma_start3A_185 = arith.constant 0 : i32
      %dma_start3A_186 = tpu.memref_slice %arg7[%add3A_8, %dma_start3A_185] : memref<10112x128xf32, #tpu.memory_space<vmem_shared>> -> memref<80x128xf32, #tpu.memory_space<vmem_shared>>
      %dma_start3A_187 = arith.constant 0 : i32
      %dma_start3A_188 = tpu.memref_slice %arg7[%add3A_8, %dma_start3A_187] : memref<10112x128xf32, #tpu.memory_space<vmem_shared>> -> memref<80x128xf32, #tpu.memory_space<vmem_shared>>
      %dma_start3A_189 = arith.constant 0 : i32
      %dma_start3A_190 = arith.constant 0 : i32
      %dma_start3A_191 = tpu.memref_slice %arg6[%run_scoped3A_9, %dma_start3A_189, %dma_start3A_190] : memref<4x80x128xf32, #tpu.memory_space<vmem>> -> memref<1x80x128xf32, #tpu.memory_space<vmem>>
      %dma_start3A_192 = tpu.memref_squeeze %dma_start3A_191 : memref<1x80x128xf32, #tpu.memory_space<vmem>> -> memref<80x128xf32, #tpu.memory_space<vmem>>
      tpu.enqueue_dma source(%dma_start3A_192 : memref<80x128xf32, #tpu.memory_space<vmem>>) target(%dma_start3A_188 : memref<80x128xf32, #tpu.memory_space<vmem_shared>>) target_semaphore(%run_scoped3A_180 : memref<!tpu.dma_semaphore, #tpu.memory_space<semaphore_mem>>)
      %dma_wait3A_193 = arith.constant 0 : i32
      %dma_wait3A_194 = arith.constant 0 : i32
      %dma_wait3A_195 = tpu.memref_slice %arg6[%run_scoped3A_9, %dma_wait3A_193, %dma_wait3A_194] : memref<4x80x128xf32, #tpu.memory_space<vmem>> -> memref<1x80x128xf32, #tpu.memory_space<vmem>>
      %dma_wait3A_196 = tpu.memref_squeeze %dma_wait3A_195 : memref<1x80x128xf32, #tpu.memory_space<vmem>> -> memref<80x128xf32, #tpu.memory_space<vmem>>
      %dma_wait3A_197 = arith.constant 0 : i32
      %dma_wait3A_198 = tpu.memref_slice %arg7[%add3A_8, %dma_wait3A_197] : memref<10112x128xf32, #tpu.memory_space<vmem_shared>> -> memref<80x128xf32, #tpu.memory_space<vmem_shared>>
      %dma_wait3A_199 = arith.constant 0 : i32
      %dma_wait3A_200 = tpu.memref_slice %arg7[%add3A_8, %dma_wait3A_199] : memref<10112x128xf32, #tpu.memory_space<vmem_shared>> -> memref<80x128xf32, #tpu.memory_space<vmem_shared>>
      %dma_wait3A_201 = arith.constant 0 : i32
      %dma_wait3A_202 = arith.constant 0 : i32
      %dma_wait3A_203 = tpu.memref_slice %arg6[%run_scoped3A_9, %dma_wait3A_201, %dma_wait3A_202] : memref<4x80x128xf32, #tpu.memory_space<vmem>> -> memref<1x80x128xf32, #tpu.memory_space<vmem>>
      %dma_wait3A_204 = tpu.memref_squeeze %dma_wait3A_203 : memref<1x80x128xf32, #tpu.memory_space<vmem>> -> memref<80x128xf32, #tpu.memory_space<vmem>>
      tpu.wait_dma2 semaphore(%run_scoped3A_180 : memref<!tpu.dma_semaphore, #tpu.memory_space<semaphore_mem>>) src(%dma_wait3A_204 : memref<80x128xf32, #tpu.memory_space<vmem>>) dst(%dma_wait3A_200 : memref<80x128xf32, #tpu.memory_space<vmem_shared>>)
      tpu.yield
    }) : () -> ()
    %add3A_10 = arith.constant 160 : i32
    %add3A_11 = arith.addi %mul3A_2, %add3A_10 : i32
    %run_scoped3A_12 = arith.constant 0 : i32
    "tpu.region"() ({
      %run_scoped3A_180 = tpu.sem_alloc : memref<!tpu.dma_semaphore, #tpu.memory_space<semaphore_mem>>
      %dma_start3A_181 = arith.constant 0 : i32
      %dma_start3A_182 = arith.constant 0 : i32
      %dma_start3A_183 = tpu.memref_slice %arg6[%run_scoped3A_12, %dma_start3A_181, %dma_start3A_182] : memref<4x80x128xf32, #tpu.memory_space<vmem>> -> memref<1x80x128xf32, #tpu.memory_space<vmem>>
      %dma_start3A_184 = tpu.memref_squeeze %dma_start3A_183 : memref<1x80x128xf32, #tpu.memory_space<vmem>> -> memref<80x128xf32, #tpu.memory_space<vmem>>
      %dma_start3A_185 = arith.constant 0 : i32
      %dma_start3A_186 = tpu.memref_slice %arg7[%add3A_11, %dma_start3A_185] : memref<10112x128xf32, #tpu.memory_space<vmem_shared>> -> memref<80x128xf32, #tpu.memory_space<vmem_shared>>
      %dma_start3A_187 = arith.constant 0 : i32
      %dma_start3A_188 = tpu.memref_slice %arg7[%add3A_11, %dma_start3A_187] : memref<10112x128xf32, #tpu.memory_space<vmem_shared>> -> memref<80x128xf32, #tpu.memory_space<vmem_shared>>
      %dma_start3A_189 = arith.constant 0 : i32
      %dma_start3A_190 = arith.constant 0 : i32
      %dma_start3A_191 = tpu.memref_slice %arg6[%run_scoped3A_12, %dma_start3A_189, %dma_start3A_190] : memref<4x80x128xf32, #tpu.memory_space<vmem>> -> memref<1x80x128xf32, #tpu.memory_space<vmem>>
      %dma_start3A_192 = tpu.memref_squeeze %dma_start3A_191 : memref<1x80x128xf32, #tpu.memory_space<vmem>> -> memref<80x128xf32, #tpu.memory_space<vmem>>
      tpu.enqueue_dma source(%dma_start3A_192 : memref<80x128xf32, #tpu.memory_space<vmem>>) target(%dma_start3A_188 : memref<80x128xf32, #tpu.memory_space<vmem_shared>>) target_semaphore(%run_scoped3A_180 : memref<!tpu.dma_semaphore, #tpu.memory_space<semaphore_mem>>)
      %dma_wait3A_193 = arith.constant 0 : i32
      %dma_wait3A_194 = arith.constant 0 : i32
      %dma_wait3A_195 = tpu.memref_slice %arg6[%run_scoped3A_12, %dma_wait3A_193, %dma_wait3A_194] : memref<4x80x128xf32, #tpu.memory_space<vmem>> -> memref<1x80x128xf32, #tpu.memory_space<vmem>>
      %dma_wait3A_196 = tpu.memref_squeeze %dma_wait3A_195 : memref<1x80x128xf32, #tpu.memory_space<vmem>> -> memref<80x128xf32, #tpu.memory_space<vmem>>
      %dma_wait3A_197 = arith.constant 0 : i32
      %dma_wait3A_198 = tpu.memref_slice %arg7[%add3A_11, %dma_wait3A_197] : memref<10112x128xf32, #tpu.memory_space<vmem_shared>> -> memref<80x128xf32, #tpu.memory_space<vmem_shared>>
      %dma_wait3A_199 = arith.constant 0 : i32
      %dma_wait3A_200 = tpu.memref_slice %arg7[%add3A_11, %dma_wait3A_199] : memref<10112x128xf32, #tpu.memory_space<vmem_shared>> -> memref<80x128xf32, #tpu.memory_space<vmem_shared>>
      %dma_wait3A_201 = arith.constant 0 : i32
      %dma_wait3A_202 = arith.constant 0 : i32
      %dma_wait3A_203 = tpu.memref_slice %arg6[%run_scoped3A_12, %dma_wait3A_201, %dma_wait3A_202] : memref<4x80x128xf32, #tpu.memory_space<vmem>> -> memref<1x80x128xf32, #tpu.memory_space<vmem>>
      %dma_wait3A_204 = tpu.memref_squeeze %dma_wait3A_203 : memref<1x80x128xf32, #tpu.memory_space<vmem>> -> memref<80x128xf32, #tpu.memory_space<vmem>>
      tpu.wait_dma2 semaphore(%run_scoped3A_180 : memref<!tpu.dma_semaphore, #tpu.memory_space<semaphore_mem>>) src(%dma_wait3A_204 : memref<80x128xf32, #tpu.memory_space<vmem>>) dst(%dma_wait3A_200 : memref<80x128xf32, #tpu.memory_space<vmem_shared>>)
      tpu.yield
    }) : () -> ()
    %add3A_13 = arith.constant 240 : i32
    %add3A_14 = arith.addi %mul3A_2, %add3A_13 : i32
    %run_scoped3A_15 = arith.constant 0 : i32
    "tpu.region"() ({
      %run_scoped3A_180 = tpu.sem_alloc : memref<!tpu.dma_semaphore, #tpu.memory_space<semaphore_mem>>
      %dma_start3A_181 = arith.constant 0 : i32
      %dma_start3A_182 = arith.constant 0 : i32
      %dma_start3A_183 = tpu.memref_slice %arg6[%run_scoped3A_15, %dma_start3A_181, %dma_start3A_182] : memref<4x80x128xf32, #tpu.memory_space<vmem>> -> memref<1x80x128xf32, #tpu.memory_space<vmem>>
      %dma_start3A_184 = tpu.memref_squeeze %dma_start3A_183 : memref<1x80x128xf32, #tpu.memory_space<vmem>> -> memref<80x128xf32, #tpu.memory_space<vmem>>
      %dma_start3A_185 = arith.constant 0 : i32
      %dma_start3A_186 = tpu.memref_slice %arg7[%add3A_14, %dma_start3A_185] : memref<10112x128xf32, #tpu.memory_space<vmem_shared>> -> memref<80x128xf32, #tpu.memory_space<vmem_shared>>
      %dma_start3A_187 = arith.constant 0 : i32
      %dma_start3A_188 = tpu.memref_slice %arg7[%add3A_14, %dma_start3A_187] : memref<10112x128xf32, #tpu.memory_space<vmem_shared>> -> memref<80x128xf32, #tpu.memory_space<vmem_shared>>
      %dma_start3A_189 = arith.constant 0 : i32
      %dma_start3A_190 = arith.constant 0 : i32
      %dma_start3A_191 = tpu.memref_slice %arg6[%run_scoped3A_15, %dma_start3A_189, %dma_start3A_190] : memref<4x80x128xf32, #tpu.memory_space<vmem>> -> memref<1x80x128xf32, #tpu.memory_space<vmem>>
      %dma_start3A_192 = tpu.memref_squeeze %dma_start3A_191 : memref<1x80x128xf32, #tpu.memory_space<vmem>> -> memref<80x128xf32, #tpu.memory_space<vmem>>
      tpu.enqueue_dma source(%dma_start3A_192 : memref<80x128xf32, #tpu.memory_space<vmem>>) target(%dma_start3A_188 : memref<80x128xf32, #tpu.memory_space<vmem_shared>>) target_semaphore(%run_scoped3A_180 : memref<!tpu.dma_semaphore, #tpu.memory_space<semaphore_mem>>)
      %dma_wait3A_193 = arith.constant 0 : i32
      %dma_wait3A_194 = arith.constant 0 : i32
      %dma_wait3A_195 = tpu.memref_slice %arg6[%run_scoped3A_15, %dma_wait3A_193, %dma_wait3A_194] : memref<4x80x128xf32, #tpu.memory_space<vmem>> -> memref<1x80x128xf32, #tpu.memory_space<vmem>>
      %dma_wait3A_196 = tpu.memref_squeeze %dma_wait3A_195 : memref<1x80x128xf32, #tpu.memory_space<vmem>> -> memref<80x128xf32, #tpu.memory_space<vmem>>
      %dma_wait3A_197 = arith.constant 0 : i32
      %dma_wait3A_198 = tpu.memref_slice %arg7[%add3A_14, %dma_wait3A_197] : memref<10112x128xf32, #tpu.memory_space<vmem_shared>> -> memref<80x128xf32, #tpu.memory_space<vmem_shared>>
      %dma_wait3A_199 = arith.constant 0 : i32
      %dma_wait3A_200 = tpu.memref_slice %arg7[%add3A_14, %dma_wait3A_199] : memref<10112x128xf32, #tpu.memory_space<vmem_shared>> -> memref<80x128xf32, #tpu.memory_space<vmem_shared>>
      %dma_wait3A_201 = arith.constant 0 : i32
      %dma_wait3A_202 = arith.constant 0 : i32
      %dma_wait3A_203 = tpu.memref_slice %arg6[%run_scoped3A_15, %dma_wait3A_201, %dma_wait3A_202] : memref<4x80x128xf32, #tpu.memory_space<vmem>> -> memref<1x80x128xf32, #tpu.memory_space<vmem>>
      %dma_wait3A_204 = tpu.memref_squeeze %dma_wait3A_203 : memref<1x80x128xf32, #tpu.memory_space<vmem>> -> memref<80x128xf32, #tpu.memory_space<vmem>>
      tpu.wait_dma2 semaphore(%run_scoped3A_180 : memref<!tpu.dma_semaphore, #tpu.memory_space<semaphore_mem>>) src(%dma_wait3A_204 : memref<80x128xf32, #tpu.memory_space<vmem>>) dst(%dma_wait3A_200 : memref<80x128xf32, #tpu.memory_space<vmem_shared>>)
      tpu.yield
    }) : () -> ()
    %add3A_16 = arith.constant 320 : i32
    %add3A_17 = arith.addi %mul3A_2, %add3A_16 : i32
    %run_scoped3A_18 = arith.constant 0 : i32
    "tpu.region"() ({
      %run_scoped3A_180 = tpu.sem_alloc : memref<!tpu.dma_semaphore, #tpu.memory_space<semaphore_mem>>
      %dma_start3A_181 = arith.constant 0 : i32
      %dma_start3A_182 = arith.constant 0 : i32
      %dma_start3A_183 = tpu.memref_slice %arg6[%run_scoped3A_18, %dma_start3A_181, %dma_start3A_182] : memref<4x80x128xf32, #tpu.memory_space<vmem>> -> memref<1x80x128xf32, #tpu.memory_space<vmem>>
      %dma_start3A_184 = tpu.memref_squeeze %dma_start3A_183 : memref<1x80x128xf32, #tpu.memory_space<vmem>> -> memref<80x128xf32, #tpu.memory_space<vmem>>
      %dma_start3A_185 = arith.constant 0 : i32
      %dma_start3A_186 = tpu.memref_slice %arg7[%add3A_17, %dma_start3A_185] : memref<10112x128xf32, #tpu.memory_space<vmem_shared>> -> memref<80x128xf32, #tpu.memory_space<vmem_shared>>
      %dma_start3A_187 = arith.constant 0 : i32
      %dma_start3A_188 = tpu.memref_slice %arg7[%add3A_17, %dma_start3A_187] : memref<10112x128xf32, #tpu.memory_space<vmem_shared>> -> memref<80x128xf32, #tpu.memory_space<vmem_shared>>
      %dma_start3A_189 = arith.constant 0 : i32
      %dma_start3A_190 = arith.constant 0 : i32
      %dma_start3A_191 = tpu.memref_slice %arg6[%run_scoped3A_18, %dma_start3A_189, %dma_start3A_190] : memref<4x80x128xf32, #tpu.memory_space<vmem>> -> memref<1x80x128xf32, #tpu.memory_space<vmem>>
      %dma_start3A_192 = tpu.memref_squeeze %dma_start3A_191 : memref<1x80x128xf32, #tpu.memory_space<vmem>> -> memref<80x128xf32, #tpu.memory_space<vmem>>
      tpu.enqueue_dma source(%dma_start3A_192 : memref<80x128xf32, #tpu.memory_space<vmem>>) target(%dma_start3A_188 : memref<80x128xf32, #tpu.memory_space<vmem_shared>>) target_semaphore(%run_scoped3A_180 : memref<!tpu.dma_semaphore, #tpu.memory_space<semaphore_mem>>)
      %dma_wait3A_193 = arith.constant 0 : i32
      %dma_wait3A_194 = arith.constant 0 : i32
      %dma_wait3A_195 = tpu.memref_slice %arg6[%run_scoped3A_18, %dma_wait3A_193, %dma_wait3A_194] : memref<4x80x128xf32, #tpu.memory_space<vmem>> -> memref<1x80x128xf32, #tpu.memory_space<vmem>>
      %dma_wait3A_196 = tpu.memref_squeeze %dma_wait3A_195 : memref<1x80x128xf32, #tpu.memory_space<vmem>> -> memref<80x128xf32, #tpu.memory_space<vmem>>
      %dma_wait3A_197 = arith.constant 0 : i32
      %dma_wait3A_198 = tpu.memref_slice %arg7[%add3A_17, %dma_wait3A_197] : memref<10112x128xf32, #tpu.memory_space<vmem_shared>> -> memref<80x128xf32, #tpu.memory_space<vmem_shared>>
      %dma_wait3A_199 = arith.constant 0 : i32
      %dma_wait3A_200 = tpu.memref_slice %arg7[%add3A_17, %dma_wait3A_199] : memref<10112x128xf32, #tpu.memory_space<vmem_shared>> -> memref<80x128xf32, #tpu.memory_space<vmem_shared>>
      %dma_wait3A_201 = arith.constant 0 : i32
      %dma_wait3A_202 = arith.constant 0 : i32
      %dma_wait3A_203 = tpu.memref_slice %arg6[%run_scoped3A_18, %dma_wait3A_201, %dma_wait3A_202] : memref<4x80x128xf32, #tpu.memory_space<vmem>> -> memref<1x80x128xf32, #tpu.memory_space<vmem>>
      %dma_wait3A_204 = tpu.memref_squeeze %dma_wait3A_203 : memref<1x80x128xf32, #tpu.memory_space<vmem>> -> memref<80x128xf32, #tpu.memory_space<vmem>>
      tpu.wait_dma2 semaphore(%run_scoped3A_180 : memref<!tpu.dma_semaphore, #tpu.memory_space<semaphore_mem>>) src(%dma_wait3A_204 : memref<80x128xf32, #tpu.memory_space<vmem>>) dst(%dma_wait3A_200 : memref<80x128xf32, #tpu.memory_space<vmem_shared>>)
      tpu.yield
    }) : () -> ()
    %add3A_19 = arith.constant 400 : i32
    %add3A_20 = arith.addi %mul3A_2, %add3A_19 : i32
    %run_scoped3A_21 = arith.constant 0 : i32
    "tpu.region"() ({
      %run_scoped3A_180 = tpu.sem_alloc : memref<!tpu.dma_semaphore, #tpu.memory_space<semaphore_mem>>
      %dma_start3A_181 = arith.constant 0 : i32
      %dma_start3A_182 = arith.constant 0 : i32
      %dma_start3A_183 = tpu.memref_slice %arg6[%run_scoped3A_21, %dma_start3A_181, %dma_start3A_182] : memref<4x80x128xf32, #tpu.memory_space<vmem>> -> memref<1x80x128xf32, #tpu.memory_space<vmem>>
      %dma_start3A_184 = tpu.memref_squeeze %dma_start3A_183 : memref<1x80x128xf32, #tpu.memory_space<vmem>> -> memref<80x128xf32, #tpu.memory_space<vmem>>
      %dma_start3A_185 = arith.constant 0 : i32
      %dma_start3A_186 = tpu.memref_slice %arg7[%add3A_20, %dma_start3A_185] : memref<10112x128xf32, #tpu.memory_space<vmem_shared>> -> memref<80x128xf32, #tpu.memory_space<vmem_shared>>
      %dma_start3A_187 = arith.constant 0 : i32
      %dma_start3A_188 = tpu.memref_slice %arg7[%add3A_20, %dma_start3A_187] : memref<10112x128xf32, #tpu.memory_space<vmem_shared>> -> memref<80x128xf32, #tpu.memory_space<vmem_shared>>
      %dma_start3A_189 = arith.constant 0 : i32
      %dma_start3A_190 = arith.constant 0 : i32
      %dma_start3A_191 = tpu.memref_slice %arg6[%run_scoped3A_21, %dma_start3A_189, %dma_start3A_190] : memref<4x80x128xf32, #tpu.memory_space<vmem>> -> memref<1x80x128xf32, #tpu.memory_space<vmem>>
      %dma_start3A_192 = tpu.memref_squeeze %dma_start3A_191 : memref<1x80x128xf32, #tpu.memory_space<vmem>> -> memref<80x128xf32, #tpu.memory_space<vmem>>
      tpu.enqueue_dma source(%dma_start3A_192 : memref<80x128xf32, #tpu.memory_space<vmem>>) target(%dma_start3A_188 : memref<80x128xf32, #tpu.memory_space<vmem_shared>>) target_semaphore(%run_scoped3A_180 : memref<!tpu.dma_semaphore, #tpu.memory_space<semaphore_mem>>)
      %dma_wait3A_193 = arith.constant 0 : i32
      %dma_wait3A_194 = arith.constant 0 : i32
      %dma_wait3A_195 = tpu.memref_slice %arg6[%run_scoped3A_21, %dma_wait3A_193, %dma_wait3A_194] : memref<4x80x128xf32, #tpu.memory_space<vmem>> -> memref<1x80x128xf32, #tpu.memory_space<vmem>>
      %dma_wait3A_196 = tpu.memref_squeeze %dma_wait3A_195 : memref<1x80x128xf32, #tpu.memory_space<vmem>> -> memref<80x128xf32, #tpu.memory_space<vmem>>
      %dma_wait3A_197 = arith.constant 0 : i32
      %dma_wait3A_198 = tpu.memref_slice %arg7[%add3A_20, %dma_wait3A_197] : memref<10112x128xf32, #tpu.memory_space<vmem_shared>> -> memref<80x128xf32, #tpu.memory_space<vmem_shared>>
      %dma_wait3A_199 = arith.constant 0 : i32
      %dma_wait3A_200 = tpu.memref_slice %arg7[%add3A_20, %dma_wait3A_199] : memref<10112x128xf32, #tpu.memory_space<vmem_shared>> -> memref<80x128xf32, #tpu.memory_space<vmem_shared>>
      %dma_wait3A_201 = arith.constant 0 : i32
      %dma_wait3A_202 = arith.constant 0 : i32
      %dma_wait3A_203 = tpu.memref_slice %arg6[%run_scoped3A_21, %dma_wait3A_201, %dma_wait3A_202] : memref<4x80x128xf32, #tpu.memory_space<vmem>> -> memref<1x80x128xf32, #tpu.memory_space<vmem>>
      %dma_wait3A_204 = tpu.memref_squeeze %dma_wait3A_203 : memref<1x80x128xf32, #tpu.memory_space<vmem>> -> memref<80x128xf32, #tpu.memory_space<vmem>>
      tpu.wait_dma2 semaphore(%run_scoped3A_180 : memref<!tpu.dma_semaphore, #tpu.memory_space<semaphore_mem>>) src(%dma_wait3A_204 : memref<80x128xf32, #tpu.memory_space<vmem>>) dst(%dma_wait3A_200 : memref<80x128xf32, #tpu.memory_space<vmem_shared>>)
      tpu.yield
    }) : () -> ()
    %add3A_22 = arith.constant 480 : i32
    %add3A_23 = arith.addi %mul3A_2, %add3A_22 : i32
    %run_scoped3A_24 = arith.constant 0 : i32
    "tpu.region"() ({
      %run_scoped3A_180 = tpu.sem_alloc : memref<!tpu.dma_semaphore, #tpu.memory_space<semaphore_mem>>
      %dma_start3A_181 = arith.constant 0 : i32
      %dma_start3A_182 = arith.constant 0 : i32
      %dma_start3A_183 = tpu.memref_slice %arg6[%run_scoped3A_24, %dma_start3A_181, %dma_start3A_182] : memref<4x80x128xf32, #tpu.memory_space<vmem>> -> memref<1x80x128xf32, #tpu.memory_space<vmem>>
      %dma_start3A_184 = tpu.memref_squeeze %dma_start3A_183 : memref<1x80x128xf32, #tpu.memory_space<vmem>> -> memref<80x128xf32, #tpu.memory_space<vmem>>
      %dma_start3A_185 = arith.constant 0 : i32
      %dma_start3A_186 = tpu.memref_slice %arg7[%add3A_23, %dma_start3A_185] : memref<10112x128xf32, #tpu.memory_space<vmem_shared>> -> memref<80x128xf32, #tpu.memory_space<vmem_shared>>
      %dma_start3A_187 = arith.constant 0 : i32
      %dma_start3A_188 = tpu.memref_slice %arg7[%add3A_23, %dma_start3A_187] : memref<10112x128xf32, #tpu.memory_space<vmem_shared>> -> memref<80x128xf32, #tpu.memory_space<vmem_shared>>
      %dma_start3A_189 = arith.constant 0 : i32
      %dma_start3A_190 = arith.constant 0 : i32
      %dma_start3A_191 = tpu.memref_slice %arg6[%run_scoped3A_24, %dma_start3A_189, %dma_start3A_190] : memref<4x80x128xf32, #tpu.memory_space<vmem>> -> memref<1x80x128xf32, #tpu.memory_space<vmem>>
      %dma_start3A_192 = tpu.memref_squeeze %dma_start3A_191 : memref<1x80x128xf32, #tpu.memory_space<vmem>> -> memref<80x128xf32, #tpu.memory_space<vmem>>
      tpu.enqueue_dma source(%dma_start3A_192 : memref<80x128xf32, #tpu.memory_space<vmem>>) target(%dma_start3A_188 : memref<80x128xf32, #tpu.memory_space<vmem_shared>>) target_semaphore(%run_scoped3A_180 : memref<!tpu.dma_semaphore, #tpu.memory_space<semaphore_mem>>)
      %dma_wait3A_193 = arith.constant 0 : i32
      %dma_wait3A_194 = arith.constant 0 : i32
      %dma_wait3A_195 = tpu.memref_slice %arg6[%run_scoped3A_24, %dma_wait3A_193, %dma_wait3A_194] : memref<4x80x128xf32, #tpu.memory_space<vmem>> -> memref<1x80x128xf32, #tpu.memory_space<vmem>>
      %dma_wait3A_196 = tpu.memref_squeeze %dma_wait3A_195 : memref<1x80x128xf32, #tpu.memory_space<vmem>> -> memref<80x128xf32, #tpu.memory_space<vmem>>
      %dma_wait3A_197 = arith.constant 0 : i32
      %dma_wait3A_198 = tpu.memref_slice %arg7[%add3A_23, %dma_wait3A_197] : memref<10112x128xf32, #tpu.memory_space<vmem_shared>> -> memref<80x128xf32, #tpu.memory_space<vmem_shared>>
      %dma_wait3A_199 = arith.constant 0 : i32
      %dma_wait3A_200 = tpu.memref_slice %arg7[%add3A_23, %dma_wait3A_199] : memref<10112x128xf32, #tpu.memory_space<vmem_shared>> -> memref<80x128xf32, #tpu.memory_space<vmem_shared>>
      %dma_wait3A_201 = arith.constant 0 : i32
      %dma_wait3A_202 = arith.constant 0 : i32
      %dma_wait3A_203 = tpu.memref_slice %arg6[%run_scoped3A_24, %dma_wait3A_201, %dma_wait3A_202] : memref<4x80x128xf32, #tpu.memory_space<vmem>> -> memref<1x80x128xf32, #tpu.memory_space<vmem>>
      %dma_wait3A_204 = tpu.memref_squeeze %dma_wait3A_203 : memref<1x80x128xf32, #tpu.memory_space<vmem>> -> memref<80x128xf32, #tpu.memory_space<vmem>>
      tpu.wait_dma2 semaphore(%run_scoped3A_180 : memref<!tpu.dma_semaphore, #tpu.memory_space<semaphore_mem>>) src(%dma_wait3A_204 : memref<80x128xf32, #tpu.memory_space<vmem>>) dst(%dma_wait3A_200 : memref<80x128xf32, #tpu.memory_space<vmem_shared>>)
      tpu.yield
    }) : () -> ()
    %add3A_25 = arith.constant 560 : i32
    %add3A_26 = arith.addi %mul3A_2, %add3A_25 : i32
    %run_scoped3A_27 = arith.constant 0 : i32
    "tpu.region"() ({
      %run_scoped3A_180 = tpu.sem_alloc : memref<!tpu.dma_semaphore, #tpu.memory_space<semaphore_mem>>
      %dma_start3A_181 = arith.constant 0 : i32
      %dma_start3A_182 = arith.constant 0 : i32
      %dma_start3A_183 = tpu.memref_slice %arg6[%run_scoped3A_27, %dma_start3A_181, %dma_start3A_182] : memref<4x80x128xf32, #tpu.memory_space<vmem>> -> memref<1x72x128xf32, #tpu.memory_space<vmem>>
      %dma_start3A_184 = tpu.memref_squeeze %dma_start3A_183 : memref<1x72x128xf32, #tpu.memory_space<vmem>> -> memref<72x128xf32, #tpu.memory_space<vmem>>
      %dma_start3A_185 = arith.constant 0 : i32
      %dma_start3A_186 = tpu.memref_slice %arg7[%add3A_26, %dma_start3A_185] : memref<10112x128xf32, #tpu.memory_space<vmem_shared>> -> memref<72x128xf32, #tpu.memory_space<vmem_shared>>
      %dma_start3A_187 = arith.constant 0 : i32
      %dma_start3A_188 = tpu.memref_slice %arg7[%add3A_26, %dma_start3A_187] : memref<10112x128xf32, #tpu.memory_space<vmem_shared>> -> memref<72x128xf32, #tpu.memory_space<vmem_shared>>
      %dma_start3A_189 = arith.constant 0 : i32
      %dma_start3A_190 = arith.constant 0 : i32
      %dma_start3A_191 = tpu.memref_slice %arg6[%run_scoped3A_27, %dma_start3A_189, %dma_start3A_190] : memref<4x80x128xf32, #tpu.memory_space<vmem>> -> memref<1x72x128xf32, #tpu.memory_space<vmem>>
      %dma_start3A_192 = tpu.memref_squeeze %dma_start3A_191 : memref<1x72x128xf32, #tpu.memory_space<vmem>> -> memref<72x128xf32, #tpu.memory_space<vmem>>
      tpu.enqueue_dma source(%dma_start3A_192 : memref<72x128xf32, #tpu.memory_space<vmem>>) target(%dma_start3A_188 : memref<72x128xf32, #tpu.memory_space<vmem_shared>>) target_semaphore(%run_scoped3A_180 : memref<!tpu.dma_semaphore, #tpu.memory_space<semaphore_mem>>)
      %dma_wait3A_193 = arith.constant 0 : i32
      %dma_wait3A_194 = arith.constant 0 : i32
      %dma_wait3A_195 = tpu.memref_slice %arg6[%run_scoped3A_27, %dma_wait3A_193, %dma_wait3A_194] : memref<4x80x128xf32, #tpu.memory_space<vmem>> -> memref<1x72x128xf32, #tpu.memory_space<vmem>>
      %dma_wait3A_196 = tpu.memref_squeeze %dma_wait3A_195 : memref<1x72x128xf32, #tpu.memory_space<vmem>> -> memref<72x128xf32, #tpu.memory_space<vmem>>
      %dma_wait3A_197 = arith.constant 0 : i32
      %dma_wait3A_198 = tpu.memref_slice %arg7[%add3A_26, %dma_wait3A_197] : memref<10112x128xf32, #tpu.memory_space<vmem_shared>> -> memref<72x128xf32, #tpu.memory_space<vmem_shared>>
      %dma_wait3A_199 = arith.constant 0 : i32
      %dma_wait3A_200 = tpu.memref_slice %arg7[%add3A_26, %dma_wait3A_199] : memref<10112x128xf32, #tpu.memory_space<vmem_shared>> -> memref<72x128xf32, #tpu.memory_space<vmem_shared>>
      %dma_wait3A_201 = arith.constant 0 : i32
      %dma_wait3A_202 = arith.constant 0 : i32
      %dma_wait3A_203 = tpu.memref_slice %arg6[%run_scoped3A_27, %dma_wait3A_201, %dma_wait3A_202] : memref<4x80x128xf32, #tpu.memory_space<vmem>> -> memref<1x72x128xf32, #tpu.memory_space<vmem>>
      %dma_wait3A_204 = tpu.memref_squeeze %dma_wait3A_203 : memref<1x72x128xf32, #tpu.memory_space<vmem>> -> memref<72x128xf32, #tpu.memory_space<vmem>>
      tpu.wait_dma2 semaphore(%run_scoped3A_180 : memref<!tpu.dma_semaphore, #tpu.memory_space<semaphore_mem>>) src(%dma_wait3A_204 : memref<72x128xf32, #tpu.memory_space<vmem>>) dst(%dma_wait3A_200 : memref<72x128xf32, #tpu.memory_space<vmem_shared>>)
      tpu.yield
    }) : () -> ()
    %barrier3A = arith.constant 0 : index
    tpu.barrier barrier_id(%barrier3A)
    %run_scoped3A_28 = arith.constant 0 : i32
    %run_scoped3A_29 = arith.constant 0 : i32
    "tpu.region"() ({
      %run_scoped3A_180 = tpu.sem_alloc : memref<!tpu.dma_semaphore, #tpu.memory_space<semaphore_mem>>
      %dma_start3A_181 = arith.constant 0 : i32
      %dma_start3A_182 = arith.constant 0 : i32
      %dma_start3A_183 = arith.constant 0 : i32
      %dma_start3A_184 = tpu.memref_slice %arg5[%run_scoped3A_29, %dma_start3A_181, %dma_start3A_182, %dma_start3A_183] : memref<2x5x3x80xi32, #tpu.memory_space<vmem>> -> memref<1x5x3x80xi32, #tpu.memory_space<vmem>>
      %dma_start3A_185 = tpu.memref_squeeze %dma_start3A_184 : memref<1x5x3x80xi32, #tpu.memory_space<vmem>> -> memref<5x3x80xi32, #tpu.memory_space<vmem>>
      %dma_start3A_186 = arith.constant 0 : i32
      %dma_start3A_187 = arith.constant 0 : i32
      %dma_start3A_188 = arith.constant 0 : i32
      %dma_start3A_189 = tpu.memref_slice %arg3[%add3A, %run_scoped3A_28, %dma_start3A_186, %dma_start3A_187, %dma_start3A_188] : memref<32x25x5x3x80xi32, #tpu.memory_space<hbm>> -> memref<1x1x5x3x80xi32, #tpu.memory_space<hbm>>
      %dma_start3A_190 = tpu.memref_squeeze %dma_start3A_189 : memref<1x1x5x3x80xi32, #tpu.memory_space<hbm>> -> memref<5x3x80xi32, #tpu.memory_space<hbm>>
      %dma_start3A_191 = arith.constant 0 : i32
      %dma_start3A_192 = arith.constant 0 : i32
      %dma_start3A_193 = arith.constant 0 : i32
      %dma_start3A_194 = tpu.memref_slice %arg5[%run_scoped3A_29, %dma_start3A_191, %dma_start3A_192, %dma_start3A_193] : memref<2x5x3x80xi32, #tpu.memory_space<vmem>> -> memref<1x5x3x80xi32, #tpu.memory_space<vmem>>
      %dma_start3A_195 = tpu.memref_squeeze %dma_start3A_194 : memref<1x5x3x80xi32, #tpu.memory_space<vmem>> -> memref<5x3x80xi32, #tpu.memory_space<vmem>>
      %dma_start3A_196 = arith.constant 0 : i32
      %dma_start3A_197 = arith.constant 0 : i32
      %dma_start3A_198 = arith.constant 0 : i32
      %dma_start3A_199 = tpu.memref_slice %arg3[%add3A, %run_scoped3A_28, %dma_start3A_196, %dma_start3A_197, %dma_start3A_198] : memref<32x25x5x3x80xi32, #tpu.memory_space<hbm>> -> memref<1x1x5x3x80xi32, #tpu.memory_space<hbm>>
      %dma_start3A_200 = tpu.memref_squeeze %dma_start3A_199 : memref<1x1x5x3x80xi32, #tpu.memory_space<hbm>> -> memref<5x3x80xi32, #tpu.memory_space<hbm>>
      tpu.enqueue_dma source(%dma_start3A_200 : memref<5x3x80xi32, #tpu.memory_space<hbm>>) target(%dma_start3A_195 : memref<5x3x80xi32, #tpu.memory_space<vmem>>) target_semaphore(%run_scoped3A_180 : memref<!tpu.dma_semaphore, #tpu.memory_space<semaphore_mem>>)
      %dma_wait3A_201 = arith.constant 0 : i32
      %dma_wait3A_202 = arith.constant 0 : i32
      %dma_wait3A_203 = arith.constant 0 : i32
      %dma_wait3A_204 = tpu.memref_slice %arg5[%run_scoped3A_29, %dma_wait3A_201, %dma_wait3A_202, %dma_wait3A_203] : memref<2x5x3x80xi32, #tpu.memory_space<vmem>> -> memref<1x5x3x80xi32, #tpu.memory_space<vmem>>
      %dma_wait3A_205 = tpu.memref_squeeze %dma_wait3A_204 : memref<1x5x3x80xi32, #tpu.memory_space<vmem>> -> memref<5x3x80xi32, #tpu.memory_space<vmem>>
      %dma_wait3A_206 = arith.constant 0 : i32
      %dma_wait3A_207 = arith.constant 0 : i32
      %dma_wait3A_208 = arith.constant 0 : i32
      %dma_wait3A_209 = tpu.memref_slice %arg3[%add3A, %run_scoped3A_28, %dma_wait3A_206, %dma_wait3A_207, %dma_wait3A_208] : memref<32x25x5x3x80xi32, #tpu.memory_space<hbm>> -> memref<1x1x5x3x80xi32, #tpu.memory_space<hbm>>
      %dma_wait3A_210 = tpu.memref_squeeze %dma_wait3A_209 : memref<1x1x5x3x80xi32, #tpu.memory_space<hbm>> -> memref<5x3x80xi32, #tpu.memory_space<hbm>>
      %dma_wait3A_211 = arith.constant 0 : i32
      %dma_wait3A_212 = arith.constant 0 : i32
      %dma_wait3A_213 = arith.constant 0 : i32
      %dma_wait3A_214 = tpu.memref_slice %arg5[%run_scoped3A_29, %dma_wait3A_211, %dma_wait3A_212, %dma_wait3A_213] : memref<2x5x3x80xi32, #tpu.memory_space<vmem>> -> memref<1x5x3x80xi32, #tpu.memory_space<vmem>>
      %dma_wait3A_215 = tpu.memref_squeeze %dma_wait3A_214 : memref<1x5x3x80xi32, #tpu.memory_space<vmem>> -> memref<5x3x80xi32, #tpu.memory_space<vmem>>
      %dma_wait3A_216 = arith.constant 0 : i32
      %dma_wait3A_217 = arith.constant 0 : i32
      %dma_wait3A_218 = arith.constant 0 : i32
      %dma_wait3A_219 = tpu.memref_slice %arg3[%add3A, %run_scoped3A_28, %dma_wait3A_216, %dma_wait3A_217, %dma_wait3A_218] : memref<32x25x5x3x80xi32, #tpu.memory_space<hbm>> -> memref<1x1x5x3x80xi32, #tpu.memory_space<hbm>>
      %dma_wait3A_220 = tpu.memref_squeeze %dma_wait3A_219 : memref<1x1x5x3x80xi32, #tpu.memory_space<hbm>> -> memref<5x3x80xi32, #tpu.memory_space<hbm>>
      tpu.wait_dma2 semaphore(%run_scoped3A_180 : memref<!tpu.dma_semaphore, #tpu.memory_space<semaphore_mem>>) src(%dma_wait3A_220 : memref<5x3x80xi32, #tpu.memory_space<hbm>>) dst(%dma_wait3A_215 : memref<5x3x80xi32, #tpu.memory_space<vmem>>)
      tpu.yield
    }) : () -> ()
    %rem3A = arith.constant 0 : i32
    %rem3A_30 = arith.constant 4 : i32
    %rem3A_31 = arith.remsi %rem3A, %rem3A_30 : i32
    %rem3A_32 = arith.constant 0 : i32
    %rem3A_33 = arith.constant 2 : i32
    %rem3A_34 = arith.remsi %rem3A_32, %rem3A_33 : i32
    %rem3A_35 = arith.constant 0 : i32
    %rem3A_36 = arith.constant 5 : i32
    %rem3A_37 = arith.remsi %rem3A_35, %rem3A_36 : i32
    %dma_start3A = arith.constant 0 : i32
    %dma_start3A_38 = arith.constant 0 : i32
    %dma_start3A_39 = arith.constant 0 : i32
    %dma_start3A_40 = tpu.memref_slice %arg6[%rem3A_31, %dma_start3A_38, %dma_start3A_39] : memref<4x80x128xf32, #tpu.memory_space<vmem>> -> memref<1x80x128xf32, #tpu.memory_space<vmem>>
    %dma_start3A_41 = tpu.memref_squeeze %dma_start3A_40 : memref<1x80x128xf32, #tpu.memory_space<vmem>> -> memref<80x128xf32, #tpu.memory_space<vmem>>
    %dma_start3A_42 = arith.constant 0 : i32
    %dma_start3A_43 = tpu.memref_slice %arg5[%rem3A_34, %rem3A_37, %dma_start3A, %dma_start3A_42] : memref<2x5x3x80xi32, #tpu.memory_space<vmem>> -> memref<1x1x1x80xi32, #tpu.memory_space<vmem>>
    %dma_start3A_44 = tpu.memref_squeeze %dma_start3A_43 : memref<1x1x1x80xi32, #tpu.memory_space<vmem>> -> memref<80xi32, #tpu.memory_space<vmem>>
    %dma_start3A_45 = arith.constant 0 : i32
    %dma_start3A_46 = arith.constant 0 : i32
    %dma_start3A_47 = tpu.memref_slice %arg2[%dma_start3A_45, %dma_start3A_46] : memref<20000x128xf32, #tpu.memory_space<hbm>> -> memref<20000x128xf32, #tpu.memory_space<hbm>>
    %dma_start3A_48 = tpu.memref_slice %arg8[%rem3A_31] : memref<4x!tpu.dma_semaphore, #tpu.memory_space<semaphore_mem>> -> memref<1x!tpu.dma_semaphore, #tpu.memory_space<semaphore_mem>>
    %dma_start3A_49 = tpu.memref_squeeze %dma_start3A_48 : memref<1x!tpu.dma_semaphore, #tpu.memory_space<semaphore_mem>> -> memref<!tpu.dma_semaphore, #tpu.memory_space<semaphore_mem>>
    tpu.enqueue_indirect_dma source(%dma_start3A_47 : memref<20000x128xf32, #tpu.memory_space<hbm>>) target(%dma_start3A_41 : memref<80x128xf32, #tpu.memory_space<vmem>>) offsets(%dma_start3A_44 : memref<80xi32, #tpu.memory_space<vmem>>) semaphore(%dma_start3A_49 : memref<!tpu.dma_semaphore, #tpu.memory_space<semaphore_mem>>)
    %rem3A_50 = arith.constant 1 : i32
    %rem3A_51 = arith.constant 4 : i32
    %rem3A_52 = arith.remsi %rem3A_50, %rem3A_51 : i32
    %rem3A_53 = arith.constant 0 : i32
    %rem3A_54 = arith.constant 2 : i32
    %rem3A_55 = arith.remsi %rem3A_53, %rem3A_54 : i32
    %rem3A_56 = arith.constant 1 : i32
    %rem3A_57 = arith.constant 5 : i32
    %rem3A_58 = arith.remsi %rem3A_56, %rem3A_57 : i32
    %dma_start3A_59 = arith.constant 0 : i32
    %dma_start3A_60 = arith.constant 0 : i32
    %dma_start3A_61 = arith.constant 0 : i32
    %dma_start3A_62 = tpu.memref_slice %arg6[%rem3A_52, %dma_start3A_60, %dma_start3A_61] : memref<4x80x128xf32, #tpu.memory_space<vmem>> -> memref<1x80x128xf32, #tpu.memory_space<vmem>>
    %dma_start3A_63 = tpu.memref_squeeze %dma_start3A_62 : memref<1x80x128xf32, #tpu.memory_space<vmem>> -> memref<80x128xf32, #tpu.memory_space<vmem>>
    %dma_start3A_64 = arith.constant 0 : i32
    %dma_start3A_65 = tpu.memref_slice %arg5[%rem3A_55, %rem3A_58, %dma_start3A_59, %dma_start3A_64] : memref<2x5x3x80xi32, #tpu.memory_space<vmem>> -> memref<1x1x1x80xi32, #tpu.memory_space<vmem>>
    %dma_start3A_66 = tpu.memref_squeeze %dma_start3A_65 : memref<1x1x1x80xi32, #tpu.memory_space<vmem>> -> memref<80xi32, #tpu.memory_space<vmem>>
    %dma_start3A_67 = arith.constant 0 : i32
    %dma_start3A_68 = arith.constant 0 : i32
    %dma_start3A_69 = tpu.memref_slice %arg2[%dma_start3A_67, %dma_start3A_68] : memref<20000x128xf32, #tpu.memory_space<hbm>> -> memref<20000x128xf32, #tpu.memory_space<hbm>>
    %dma_start3A_70 = tpu.memref_slice %arg8[%rem3A_52] : memref<4x!tpu.dma_semaphore, #tpu.memory_space<semaphore_mem>> -> memref<1x!tpu.dma_semaphore, #tpu.memory_space<semaphore_mem>>
    %dma_start3A_71 = tpu.memref_squeeze %dma_start3A_70 : memref<1x!tpu.dma_semaphore, #tpu.memory_space<semaphore_mem>> -> memref<!tpu.dma_semaphore, #tpu.memory_space<semaphore_mem>>
    tpu.enqueue_indirect_dma source(%dma_start3A_69 : memref<20000x128xf32, #tpu.memory_space<hbm>>) target(%dma_start3A_63 : memref<80x128xf32, #tpu.memory_space<vmem>>) offsets(%dma_start3A_66 : memref<80xi32, #tpu.memory_space<vmem>>) semaphore(%dma_start3A_71 : memref<!tpu.dma_semaphore, #tpu.memory_space<semaphore_mem>>)
    %rem3A_72 = arith.constant 0 : i32
    %rem3A_73 = arith.constant 4 : i32
    %rem3A_74 = arith.remsi %rem3A_72, %rem3A_73 : i32
    %rem3A_75 = arith.constant 0 : i32
    %rem3A_76 = arith.constant 2 : i32
    %rem3A_77 = arith.remsi %rem3A_75, %rem3A_76 : i32
    %rem3A_78 = arith.constant 0 : i32
    %rem3A_79 = arith.constant 5 : i32
    %rem3A_80 = arith.remsi %rem3A_78, %rem3A_79 : i32
    %dma_wait3A = arith.constant 0 : i32
    %dma_wait3A_81 = arith.constant 0 : i32
    %dma_wait3A_82 = arith.constant 0 : i32
    %dma_wait3A_83 = tpu.memref_slice %arg6[%rem3A_74, %dma_wait3A_81, %dma_wait3A_82] : memref<4x80x128xf32, #tpu.memory_space<vmem>> -> memref<1x80x128xf32, #tpu.memory_space<vmem>>
    %dma_wait3A_84 = tpu.memref_squeeze %dma_wait3A_83 : memref<1x80x128xf32, #tpu.memory_space<vmem>> -> memref<80x128xf32, #tpu.memory_space<vmem>>
    %dma_wait3A_85 = arith.constant 0 : i32
    %dma_wait3A_86 = tpu.memref_slice %arg5[%rem3A_77, %rem3A_80, %dma_wait3A, %dma_wait3A_85] : memref<2x5x3x80xi32, #tpu.memory_space<vmem>> -> memref<1x1x1x80xi32, #tpu.memory_space<vmem>>
    %dma_wait3A_87 = tpu.memref_squeeze %dma_wait3A_86 : memref<1x1x1x80xi32, #tpu.memory_space<vmem>> -> memref<80xi32, #tpu.memory_space<vmem>>
    %dma_wait3A_88 = arith.constant 0 : i32
    %dma_wait3A_89 = arith.constant 0 : i32
    %dma_wait3A_90 = tpu.memref_slice %arg2[%dma_wait3A_88, %dma_wait3A_89] : memref<20000x128xf32, #tpu.memory_space<hbm>> -> memref<20000x128xf32, #tpu.memory_space<hbm>>
    %dma_wait3A_91 = tpu.memref_slice %arg8[%rem3A_74] : memref<4x!tpu.dma_semaphore, #tpu.memory_space<semaphore_mem>> -> memref<1x!tpu.dma_semaphore, #tpu.memory_space<semaphore_mem>>
    %dma_wait3A_92 = tpu.memref_squeeze %dma_wait3A_91 : memref<1x!tpu.dma_semaphore, #tpu.memory_space<semaphore_mem>> -> memref<!tpu.dma_semaphore, #tpu.memory_space<semaphore_mem>>
    tpu.wait_indirect_dma semaphore(%dma_wait3A_92 : memref<!tpu.dma_semaphore, #tpu.memory_space<semaphore_mem>>) src(%dma_wait3A_90 : memref<20000x128xf32, #tpu.memory_space<hbm>>) dst(%dma_wait3A_84 : memref<80x128xf32, #tpu.memory_space<vmem>>)
    %dma_start3A_93 = arith.constant 1 : i32
    %dma_start3A_94 = arith.constant 0 : i32
    %dma_start3A_95 = arith.constant 0 : i32
    %dma_start3A_96 = tpu.memref_slice %arg6[%rem3A_74, %dma_start3A_94, %dma_start3A_95] : memref<4x80x128xf32, #tpu.memory_space<vmem>> -> memref<1x80x128xf32, #tpu.memory_space<vmem>>
    %dma_start3A_97 = tpu.memref_squeeze %dma_start3A_96 : memref<1x80x128xf32, #tpu.memory_space<vmem>> -> memref<80x128xf32, #tpu.memory_space<vmem>>
    %dma_start3A_98 = arith.constant 0 : i32
    %dma_start3A_99 = tpu.memref_slice %arg5[%rem3A_77, %rem3A_80, %dma_start3A_93, %dma_start3A_98] : memref<2x5x3x80xi32, #tpu.memory_space<vmem>> -> memref<1x1x1x80xi32, #tpu.memory_space<vmem>>
    %dma_start3A_100 = tpu.memref_squeeze %dma_start3A_99 : memref<1x1x1x80xi32, #tpu.memory_space<vmem>> -> memref<80xi32, #tpu.memory_space<vmem>>
    %dma_start3A_101 = arith.constant 0 : i32
    %dma_start3A_102 = arith.constant 0 : i32
    %dma_start3A_103 = tpu.memref_slice %arg2[%dma_start3A_101, %dma_start3A_102] : memref<20000x128xf32, #tpu.memory_space<hbm>> -> memref<20000x128xf32, #tpu.memory_space<hbm>>
    %dma_start3A_104 = tpu.memref_slice %arg9[%rem3A_74] : memref<4x!tpu.dma_semaphore, #tpu.memory_space<semaphore_mem>> -> memref<1x!tpu.dma_semaphore, #tpu.memory_space<semaphore_mem>>
    %dma_start3A_105 = tpu.memref_squeeze %dma_start3A_104 : memref<1x!tpu.dma_semaphore, #tpu.memory_space<semaphore_mem>> -> memref<!tpu.dma_semaphore, #tpu.memory_space<semaphore_mem>>
    tpu.enqueue_indirect_dma source(%dma_start3A_103 : memref<20000x128xf32, #tpu.memory_space<hbm>>) target(%dma_start3A_97 : memref<80x128xf32, #tpu.memory_space<vmem>>) offsets(%dma_start3A_100 : memref<80xi32, #tpu.memory_space<vmem>>) semaphore(%dma_start3A_105 : memref<!tpu.dma_semaphore, #tpu.memory_space<semaphore_mem>>) {add = true}
    %scan3A = arith.constant 0 : i32
    %scan3A_106 = arith.constant 0 : i32
    %scan3A_107 = arith.constant 125 : i32
    %scan3A_108 = arith.addi %scan3A_106, %scan3A_107 : i32
    %scan3A_109 = arith.constant 1 : i32
    scf.for %scan3A_180 = %scan3A_106 to %scan3A_108 step %scan3A_109  : i32 {
      %rem3A_181 = arith.constant 4 : i32
      %rem3A_182 = arith.remsi %scan3A_180, %rem3A_181 : i32
      %jit3A = arith.constant 5 : i32
      %div3A = arith.divsi %scan3A_180, %jit3A : i32
      %sign3A = arith.constant 0 : i32
      %sign3A_183 = arith.cmpi sgt, %scan3A_180, %sign3A : i32
      %sign3A_184 = arith.extui %sign3A_183 : i1 to i32
      %sign3A_185 = arith.constant 0 : i32
      %sign3A_186 = arith.cmpi slt, %scan3A_180, %sign3A_185 : i32
      %sign3A_187 = arith.extui %sign3A_186 : i1 to i32
      %sign3A_188 = arith.subi %sign3A_184, %sign3A_187 : i32
      %sign3A_189 = arith.constant 0 : i32
      %sign3A_190 = arith.cmpi sgt, %jit3A, %sign3A_189 : i32
      %sign3A_191 = arith.extui %sign3A_190 : i1 to i32
      %sign3A_192 = arith.constant 0 : i32
      %sign3A_193 = arith.cmpi slt, %jit3A, %sign3A_192 : i32
      %sign3A_194 = arith.extui %sign3A_193 : i1 to i32
      %sign3A_195 = arith.subi %sign3A_191, %sign3A_194 : i32
      %ne3A = arith.cmpi ne, %sign3A_188, %sign3A_195 : i32
      %rem3A_196 = arith.remsi %scan3A_180, %jit3A : i32
      %ne3A_197 = arith.constant 0 : i32
      %ne3A_198 = arith.cmpi ne, %rem3A_196, %ne3A_197 : i32
      %and3A = arith.andi %ne3A, %ne3A_198 : i1
      %sub3A = arith.constant 1 : i32
      %sub3A_199 = arith.subi %div3A, %sub3A : i32
      %select_n3A = arith.select %and3A, %sub3A_199, %div3A : i32
      %rem3A_200 = arith.constant 2 : i32
      %rem3A_201 = arith.remsi %select_n3A, %rem3A_200 : i32
      %rem3A_202 = arith.constant 5 : i32
      %rem3A_203 = arith.remsi %scan3A_180, %rem3A_202 : i32
      %eq3A = arith.constant 2 : i32
      %eq3A_204 = arith.cmpi eq, %rem3A_203, %eq3A : i32
      %add3A_205 = arith.constant 3 : i32
      %add3A_206 = arith.addi %scan3A_180, %add3A_205 : i32
      %lt3A = arith.constant 125 : i32
      %lt3A_207 = arith.cmpi slt, %add3A_206, %lt3A : i32
      %and3A_208 = arith.andi %eq3A_204, %lt3A_207 : i1
      %convert_element_type3A = arith.extui %and3A_208 : i1 to i32
      %cond3A = arith.constant 0 : i32
      %cond3A_209 = arith.cmpi ne, %convert_element_type3A, %cond3A : i32
      scf.if %cond3A_209 {
        %jit3A_263 = arith.constant 5 : i32
        %div3A_264 = arith.divsi %scan3A_180, %jit3A_263 : i32
        %sign3A_265 = arith.constant 0 : i32
        %sign3A_266 = arith.cmpi sgt, %scan3A_180, %sign3A_265 : i32
        %sign3A_267 = arith.extui %sign3A_266 : i1 to i32
        %sign3A_268 = arith.constant 0 : i32
        %sign3A_269 = arith.cmpi slt, %scan3A_180, %sign3A_268 : i32
        %sign3A_270 = arith.extui %sign3A_269 : i1 to i32
        %sign3A_271 = arith.subi %sign3A_267, %sign3A_270 : i32
        %sign3A_272 = arith.constant 0 : i32
        %sign3A_273 = arith.cmpi sgt, %jit3A_263, %sign3A_272 : i32
        %sign3A_274 = arith.extui %sign3A_273 : i1 to i32
        %sign3A_275 = arith.constant 0 : i32
        %sign3A_276 = arith.cmpi slt, %jit3A_263, %sign3A_275 : i32
        %sign3A_277 = arith.extui %sign3A_276 : i1 to i32
        %sign3A_278 = arith.subi %sign3A_274, %sign3A_277 : i32
        %ne3A_279 = arith.cmpi ne, %sign3A_271, %sign3A_278 : i32
        %rem3A_280 = arith.remsi %scan3A_180, %jit3A_263 : i32
        %ne3A_281 = arith.constant 0 : i32
        %ne3A_282 = arith.cmpi ne, %rem3A_280, %ne3A_281 : i32
        %and3A_283 = arith.andi %ne3A_279, %ne3A_282 : i1
        %sub3A_284 = arith.constant 1 : i32
        %sub3A_285 = arith.subi %div3A_264, %sub3A_284 : i32
        %select_n3A_286 = arith.select %and3A_283, %sub3A_285, %div3A_264 : i32
        %add3A_287 = arith.constant 1 : i32
        %add3A_288 = arith.addi %select_n3A_286, %add3A_287 : i32
        %sub3A_289 = arith.constant 1 : i32
        %sub3A_290 = arith.subi %sub3A_289, %rem3A_201 : i32
        %dma_start3A_291 = arith.constant 0 : i32
        %dma_start3A_292 = arith.constant 0 : i32
        %dma_start3A_293 = arith.constant 0 : i32
        %dma_start3A_294 = tpu.memref_slice %arg5[%sub3A_290, %dma_start3A_291, %dma_start3A_292, %dma_start3A_293] : memref<2x5x3x80xi32, #tpu.memory_space<vmem>> -> memref<1x5x3x80xi32, #tpu.memory_space<vmem>>
        %dma_start3A_295 = tpu.memref_squeeze %dma_start3A_294 : memref<1x5x3x80xi32, #tpu.memory_space<vmem>> -> memref<5x3x80xi32, #tpu.memory_space<vmem>>
        %dma_start3A_296 = arith.constant 0 : i32
        %dma_start3A_297 = arith.constant 0 : i32
        %dma_start3A_298 = arith.constant 0 : i32
        %dma_start3A_299 = tpu.memref_slice %arg3[%add3A, %add3A_288, %dma_start3A_296, %dma_start3A_297, %dma_start3A_298] : memref<32x25x5x3x80xi32, #tpu.memory_space<hbm>> -> memref<1x1x5x3x80xi32, #tpu.memory_space<hbm>>
        %dma_start3A_300 = tpu.memref_squeeze %dma_start3A_299 : memref<1x1x5x3x80xi32, #tpu.memory_space<hbm>> -> memref<5x3x80xi32, #tpu.memory_space<hbm>>
        %dma_start3A_301 = arith.constant 0 : i32
        %dma_start3A_302 = arith.constant 0 : i32
        %dma_start3A_303 = arith.constant 0 : i32
        %dma_start3A_304 = tpu.memref_slice %arg5[%sub3A_290, %dma_start3A_301, %dma_start3A_302, %dma_start3A_303] : memref<2x5x3x80xi32, #tpu.memory_space<vmem>> -> memref<1x5x3x80xi32, #tpu.memory_space<vmem>>
        %dma_start3A_305 = tpu.memref_squeeze %dma_start3A_304 : memref<1x5x3x80xi32, #tpu.memory_space<vmem>> -> memref<5x3x80xi32, #tpu.memory_space<vmem>>
        %dma_start3A_306 = arith.constant 0 : i32
        %dma_start3A_307 = arith.constant 0 : i32
        %dma_start3A_308 = arith.constant 0 : i32
        %dma_start3A_309 = tpu.memref_slice %arg3[%add3A, %add3A_288, %dma_start3A_306, %dma_start3A_307, %dma_start3A_308] : memref<32x25x5x3x80xi32, #tpu.memory_space<hbm>> -> memref<1x1x5x3x80xi32, #tpu.memory_space<hbm>>
        %dma_start3A_310 = tpu.memref_squeeze %dma_start3A_309 : memref<1x1x5x3x80xi32, #tpu.memory_space<hbm>> -> memref<5x3x80xi32, #tpu.memory_space<hbm>>
        tpu.enqueue_dma source(%dma_start3A_310 : memref<5x3x80xi32, #tpu.memory_space<hbm>>) target(%dma_start3A_305 : memref<5x3x80xi32, #tpu.memory_space<vmem>>) target_semaphore(%arg11 : memref<!tpu.dma_semaphore, #tpu.memory_space<semaphore_mem>>)
      } else {
      }
      %eq3A_210 = arith.constant 3 : i32
      %eq3A_211 = arith.cmpi eq, %rem3A_203, %eq3A_210 : i32
      %add3A_212 = arith.constant 2 : i32
      %add3A_213 = arith.addi %scan3A_180, %add3A_212 : i32
      %lt3A_214 = arith.constant 125 : i32
      %lt3A_215 = arith.cmpi slt, %add3A_213, %lt3A_214 : i32
      %and3A_216 = arith.andi %eq3A_211, %lt3A_215 : i1
      %convert_element_type3A_217 = arith.extui %and3A_216 : i1 to i32
      %cond3A_218 = arith.constant 0 : i32
      %cond3A_219 = arith.cmpi ne, %convert_element_type3A_217, %cond3A_218 : i32
      scf.if %cond3A_219 {
        %sub3A_263 = arith.constant 1 : i32
        %sub3A_264 = arith.subi %sub3A_263, %rem3A_201 : i32
        %dma_wait3A_265 = arith.constant 0 : i32
        %dma_wait3A_266 = arith.constant 0 : i32
        %dma_wait3A_267 = arith.constant 0 : i32
        %dma_wait3A_268 = arith.constant 0 : i32
        %dma_wait3A_269 = tpu.memref_slice %arg5[%sub3A_264, %dma_wait3A_266, %dma_wait3A_267, %dma_wait3A_268] : memref<2x5x3x80xi32, #tpu.memory_space<vmem>> -> memref<1x5x3x80xi32, #tpu.memory_space<vmem>>
        %dma_wait3A_270 = tpu.memref_squeeze %dma_wait3A_269 : memref<1x5x3x80xi32, #tpu.memory_space<vmem>> -> memref<5x3x80xi32, #tpu.memory_space<vmem>>
        %dma_wait3A_271 = arith.constant 0 : i32
        %dma_wait3A_272 = arith.constant 0 : i32
        %dma_wait3A_273 = arith.constant 0 : i32
        %dma_wait3A_274 = tpu.memref_slice %arg3[%add3A, %dma_wait3A_265, %dma_wait3A_271, %dma_wait3A_272, %dma_wait3A_273] : memref<32x25x5x3x80xi32, #tpu.memory_space<hbm>> -> memref<1x1x5x3x80xi32, #tpu.memory_space<hbm>>
        %dma_wait3A_275 = tpu.memref_squeeze %dma_wait3A_274 : memref<1x1x5x3x80xi32, #tpu.memory_space<hbm>> -> memref<5x3x80xi32, #tpu.memory_space<hbm>>
        %dma_wait3A_276 = arith.constant 0 : i32
        %dma_wait3A_277 = arith.constant 0 : i32
        %dma_wait3A_278 = arith.constant 0 : i32
        %dma_wait3A_279 = tpu.memref_slice %arg5[%sub3A_264, %dma_wait3A_276, %dma_wait3A_277, %dma_wait3A_278] : memref<2x5x3x80xi32, #tpu.memory_space<vmem>> -> memref<1x5x3x80xi32, #tpu.memory_space<vmem>>
        %dma_wait3A_280 = tpu.memref_squeeze %dma_wait3A_279 : memref<1x5x3x80xi32, #tpu.memory_space<vmem>> -> memref<5x3x80xi32, #tpu.memory_space<vmem>>
        %dma_wait3A_281 = arith.constant 0 : i32
        %dma_wait3A_282 = arith.constant 0 : i32
        %dma_wait3A_283 = arith.constant 0 : i32
        %dma_wait3A_284 = tpu.memref_slice %arg3[%add3A, %dma_wait3A_265, %dma_wait3A_281, %dma_wait3A_282, %dma_wait3A_283] : memref<32x25x5x3x80xi32, #tpu.memory_space<hbm>> -> memref<1x1x5x3x80xi32, #tpu.memory_space<hbm>>
        %dma_wait3A_285 = tpu.memref_squeeze %dma_wait3A_284 : memref<1x1x5x3x80xi32, #tpu.memory_space<hbm>> -> memref<5x3x80xi32, #tpu.memory_space<hbm>>
        tpu.wait_dma2 semaphore(%arg11 : memref<!tpu.dma_semaphore, #tpu.memory_space<semaphore_mem>>) src(%dma_wait3A_285 : memref<5x3x80xi32, #tpu.memory_space<hbm>>) dst(%dma_wait3A_280 : memref<5x3x80xi32, #tpu.memory_space<vmem>>)
      } else {
      }
      %add3A_220 = arith.constant 2 : i32
      %add3A_221 = arith.addi %scan3A_180, %add3A_220 : i32
      %lt3A_222 = arith.constant 125 : i32
      %lt3A_223 = arith.cmpi slt, %add3A_221, %lt3A_222 : i32
      %convert_element_type3A_224 = arith.extui %lt3A_223 : i1 to i32
      %cond3A_225 = arith.constant 0 : i32
      %cond3A_226 = arith.cmpi ne, %convert_element_type3A_224, %cond3A_225 : i32
      scf.if %cond3A_226 {
        %add3A_263 = arith.constant 2 : i32
        %add3A_264 = arith.addi %scan3A_180, %add3A_263 : i32
        %rem3A_265 = arith.constant 4 : i32
        %rem3A_266 = arith.remsi %add3A_264, %rem3A_265 : i32
        %jit3A_267 = arith.constant 5 : i32
        %div3A_268 = arith.divsi %add3A_264, %jit3A_267 : i32
        %sign3A_269 = arith.constant 0 : i32
        %sign3A_270 = arith.cmpi sgt, %add3A_264, %sign3A_269 : i32
        %sign3A_271 = arith.extui %sign3A_270 : i1 to i32
        %sign3A_272 = arith.constant 0 : i32
        %sign3A_273 = arith.cmpi slt, %add3A_264, %sign3A_272 : i32
        %sign3A_274 = arith.extui %sign3A_273 : i1 to i32
        %sign3A_275 = arith.subi %sign3A_271, %sign3A_274 : i32
        %sign3A_276 = arith.constant 0 : i32
        %sign3A_277 = arith.cmpi sgt, %jit3A_267, %sign3A_276 : i32
        %sign3A_278 = arith.extui %sign3A_277 : i1 to i32
        %sign3A_279 = arith.constant 0 : i32
        %sign3A_280 = arith.cmpi slt, %jit3A_267, %sign3A_279 : i32
        %sign3A_281 = arith.extui %sign3A_280 : i1 to i32
        %sign3A_282 = arith.subi %sign3A_278, %sign3A_281 : i32
        %ne3A_283 = arith.cmpi ne, %sign3A_275, %sign3A_282 : i32
        %rem3A_284 = arith.remsi %add3A_264, %jit3A_267 : i32
        %ne3A_285 = arith.constant 0 : i32
        %ne3A_286 = arith.cmpi ne, %rem3A_284, %ne3A_285 : i32
        %and3A_287 = arith.andi %ne3A_283, %ne3A_286 : i1
        %sub3A_288 = arith.constant 1 : i32
        %sub3A_289 = arith.subi %div3A_268, %sub3A_288 : i32
        %select_n3A_290 = arith.select %and3A_287, %sub3A_289, %div3A_268 : i32
        %rem3A_291 = arith.constant 2 : i32
        %rem3A_292 = arith.remsi %select_n3A_290, %rem3A_291 : i32
        %rem3A_293 = arith.constant 5 : i32
        %rem3A_294 = arith.remsi %add3A_264, %rem3A_293 : i32
        %ge3A = arith.constant 4 : i32
        %ge3A_295 = arith.cmpi sge, %add3A_264, %ge3A : i32
        %convert_element_type3A_296 = arith.extui %ge3A_295 : i1 to i32
        %cond3A_297 = arith.constant 0 : i32
        %cond3A_298 = arith.cmpi ne, %convert_element_type3A_296, %cond3A_297 : i32
        scf.if %cond3A_298 {
          %dma_wait3A_312 = arith.constant 0 : i32
          %dma_wait3A_313 = arith.constant 0 : i32
          %dma_wait3A_314 = arith.constant 2 : i32
          %dma_wait3A_315 = arith.constant 0 : i32
          %dma_wait3A_316 = arith.constant 0 : i32
          %dma_wait3A_317 = tpu.memref_slice %arg6[%rem3A_266, %dma_wait3A_315, %dma_wait3A_316] : memref<4x80x128xf32, #tpu.memory_space<vmem>> -> memref<1x80x128xf32, #tpu.memory_space<vmem>>
          %dma_wait3A_318 = tpu.memref_squeeze %dma_wait3A_317 : memref<1x80x128xf32, #tpu.memory_space<vmem>> -> memref<80x128xf32, #tpu.memory_space<vmem>>
          %dma_wait3A_319 = arith.constant 0 : i32
          %dma_wait3A_320 = tpu.memref_slice %arg5[%dma_wait3A_312, %dma_wait3A_313, %dma_wait3A_314, %dma_wait3A_319] : memref<2x5x3x80xi32, #tpu.memory_space<vmem>> -> memref<1x1x1x80xi32, #tpu.memory_space<vmem>>
          %dma_wait3A_321 = tpu.memref_squeeze %dma_wait3A_320 : memref<1x1x1x80xi32, #tpu.memory_space<vmem>> -> memref<80xi32, #tpu.memory_space<vmem>>
          %dma_wait3A_322 = arith.constant 0 : i32
          %dma_wait3A_323 = arith.constant 0 : i32
          %dma_wait3A_324 = tpu.memref_slice %arg7[%dma_wait3A_322, %dma_wait3A_323] : memref<10112x128xf32, #tpu.memory_space<vmem_shared>> -> memref<10112x128xf32, #tpu.memory_space<vmem_shared>>
          %dma_wait3A_325 = tpu.memref_slice %arg10[%rem3A_266] : memref<4x!tpu.dma_semaphore, #tpu.memory_space<semaphore_mem>> -> memref<1x!tpu.dma_semaphore, #tpu.memory_space<semaphore_mem>>
          %dma_wait3A_326 = tpu.memref_squeeze %dma_wait3A_325 : memref<1x!tpu.dma_semaphore, #tpu.memory_space<semaphore_mem>> -> memref<!tpu.dma_semaphore, #tpu.memory_space<semaphore_mem>>
          tpu.wait_indirect_dma semaphore(%dma_wait3A_326 : memref<!tpu.dma_semaphore, #tpu.memory_space<semaphore_mem>>) src(%dma_wait3A_318 : memref<80x128xf32, #tpu.memory_space<vmem>>) dst(%dma_wait3A_324 : memref<10112x128xf32, #tpu.memory_space<vmem_shared>>)
        } else {
        }
        %dma_start3A_299 = arith.constant 0 : i32
        %dma_start3A_300 = arith.constant 0 : i32
        %dma_start3A_301 = arith.constant 0 : i32
        %dma_start3A_302 = tpu.memref_slice %arg6[%rem3A_266, %dma_start3A_300, %dma_start3A_301] : memref<4x80x128xf32, #tpu.memory_space<vmem>> -> memref<1x80x128xf32, #tpu.memory_space<vmem>>
        %dma_start3A_303 = tpu.memref_squeeze %dma_start3A_302 : memref<1x80x128xf32, #tpu.memory_space<vmem>> -> memref<80x128xf32, #tpu.memory_space<vmem>>
        %dma_start3A_304 = arith.constant 0 : i32
        %dma_start3A_305 = tpu.memref_slice %arg5[%rem3A_292, %rem3A_294, %dma_start3A_299, %dma_start3A_304] : memref<2x5x3x80xi32, #tpu.memory_space<vmem>> -> memref<1x1x1x80xi32, #tpu.memory_space<vmem>>
        %dma_start3A_306 = tpu.memref_squeeze %dma_start3A_305 : memref<1x1x1x80xi32, #tpu.memory_space<vmem>> -> memref<80xi32, #tpu.memory_space<vmem>>
        %dma_start3A_307 = arith.constant 0 : i32
        %dma_start3A_308 = arith.constant 0 : i32
        %dma_start3A_309 = tpu.memref_slice %arg2[%dma_start3A_307, %dma_start3A_308] : memref<20000x128xf32, #tpu.memory_space<hbm>> -> memref<20000x128xf32, #tpu.memory_space<hbm>>
        %dma_start3A_310 = tpu.memref_slice %arg8[%rem3A_266] : memref<4x!tpu.dma_semaphore, #tpu.memory_space<semaphore_mem>> -> memref<1x!tpu.dma_semaphore, #tpu.memory_space<semaphore_mem>>
        %dma_start3A_311 = tpu.memref_squeeze %dma_start3A_310 : memref<1x!tpu.dma_semaphore, #tpu.memory_space<semaphore_mem>> -> memref<!tpu.dma_semaphore, #tpu.memory_space<semaphore_mem>>
        tpu.enqueue_indirect_dma source(%dma_start3A_309 : memref<20000x128xf32, #tpu.memory_space<hbm>>) target(%dma_start3A_303 : memref<80x128xf32, #tpu.memory_space<vmem>>) offsets(%dma_start3A_306 : memref<80xi32, #tpu.memory_space<vmem>>) semaphore(%dma_start3A_311 : memref<!tpu.dma_semaphore, #tpu.memory_space<semaphore_mem>>)
      } else {
      }
      %add3A_227 = arith.constant 1 : i32
      %add3A_228 = arith.addi %scan3A_180, %add3A_227 : i32
      %lt3A_229 = arith.constant 125 : i32
      %lt3A_230 = arith.cmpi slt, %add3A_228, %lt3A_229 : i32
      %convert_element_type3A_231 = arith.extui %lt3A_230 : i1 to i32
      %cond3A_232 = arith.constant 0 : i32
      %cond3A_233 = arith.cmpi ne, %convert_element_type3A_231, %cond3A_232 : i32
      scf.if %cond3A_233 {
        %add3A_263 = arith.constant 1 : i32
        %add3A_264 = arith.addi %scan3A_180, %add3A_263 : i32
        %rem3A_265 = arith.constant 4 : i32
        %rem3A_266 = arith.remsi %add3A_264, %rem3A_265 : i32
        %jit3A_267 = arith.constant 5 : i32
        %div3A_268 = arith.divsi %add3A_264, %jit3A_267 : i32
        %sign3A_269 = arith.constant 0 : i32
        %sign3A_270 = arith.cmpi sgt, %add3A_264, %sign3A_269 : i32
        %sign3A_271 = arith.extui %sign3A_270 : i1 to i32
        %sign3A_272 = arith.constant 0 : i32
        %sign3A_273 = arith.cmpi slt, %add3A_264, %sign3A_272 : i32
        %sign3A_274 = arith.extui %sign3A_273 : i1 to i32
        %sign3A_275 = arith.subi %sign3A_271, %sign3A_274 : i32
        %sign3A_276 = arith.constant 0 : i32
        %sign3A_277 = arith.cmpi sgt, %jit3A_267, %sign3A_276 : i32
        %sign3A_278 = arith.extui %sign3A_277 : i1 to i32
        %sign3A_279 = arith.constant 0 : i32
        %sign3A_280 = arith.cmpi slt, %jit3A_267, %sign3A_279 : i32
        %sign3A_281 = arith.extui %sign3A_280 : i1 to i32
        %sign3A_282 = arith.subi %sign3A_278, %sign3A_281 : i32
        %ne3A_283 = arith.cmpi ne, %sign3A_275, %sign3A_282 : i32
        %rem3A_284 = arith.remsi %add3A_264, %jit3A_267 : i32
        %ne3A_285 = arith.constant 0 : i32
        %ne3A_286 = arith.cmpi ne, %rem3A_284, %ne3A_285 : i32
        %and3A_287 = arith.andi %ne3A_283, %ne3A_286 : i1
        %sub3A_288 = arith.constant 1 : i32
        %sub3A_289 = arith.subi %div3A_268, %sub3A_288 : i32
        %select_n3A_290 = arith.select %and3A_287, %sub3A_289, %div3A_268 : i32
        %rem3A_291 = arith.constant 2 : i32
        %rem3A_292 = arith.remsi %select_n3A_290, %rem3A_291 : i32
        %rem3A_293 = arith.constant 5 : i32
        %rem3A_294 = arith.remsi %add3A_264, %rem3A_293 : i32
        %dma_wait3A_295 = arith.constant 0 : i32
        %dma_wait3A_296 = arith.constant 0 : i32
        %dma_wait3A_297 = arith.constant 0 : i32
        %dma_wait3A_298 = tpu.memref_slice %arg6[%rem3A_266, %dma_wait3A_296, %dma_wait3A_297] : memref<4x80x128xf32, #tpu.memory_space<vmem>> -> memref<1x80x128xf32, #tpu.memory_space<vmem>>
        %dma_wait3A_299 = tpu.memref_squeeze %dma_wait3A_298 : memref<1x80x128xf32, #tpu.memory_space<vmem>> -> memref<80x128xf32, #tpu.memory_space<vmem>>
        %dma_wait3A_300 = arith.constant 0 : i32
        %dma_wait3A_301 = tpu.memref_slice %arg5[%rem3A_292, %rem3A_294, %dma_wait3A_295, %dma_wait3A_300] : memref<2x5x3x80xi32, #tpu.memory_space<vmem>> -> memref<1x1x1x80xi32, #tpu.memory_space<vmem>>
        %dma_wait3A_302 = tpu.memref_squeeze %dma_wait3A_301 : memref<1x1x1x80xi32, #tpu.memory_space<vmem>> -> memref<80xi32, #tpu.memory_space<vmem>>
        %dma_wait3A_303 = arith.constant 0 : i32
        %dma_wait3A_304 = arith.constant 0 : i32
        %dma_wait3A_305 = tpu.memref_slice %arg2[%dma_wait3A_303, %dma_wait3A_304] : memref<20000x128xf32, #tpu.memory_space<hbm>> -> memref<20000x128xf32, #tpu.memory_space<hbm>>
        %dma_wait3A_306 = tpu.memref_slice %arg8[%rem3A_266] : memref<4x!tpu.dma_semaphore, #tpu.memory_space<semaphore_mem>> -> memref<1x!tpu.dma_semaphore, #tpu.memory_space<semaphore_mem>>
        %dma_wait3A_307 = tpu.memref_squeeze %dma_wait3A_306 : memref<1x!tpu.dma_semaphore, #tpu.memory_space<semaphore_mem>> -> memref<!tpu.dma_semaphore, #tpu.memory_space<semaphore_mem>>
        tpu.wait_indirect_dma semaphore(%dma_wait3A_307 : memref<!tpu.dma_semaphore, #tpu.memory_space<semaphore_mem>>) src(%dma_wait3A_305 : memref<20000x128xf32, #tpu.memory_space<hbm>>) dst(%dma_wait3A_299 : memref<80x128xf32, #tpu.memory_space<vmem>>)
        %dma_start3A_308 = arith.constant 1 : i32
        %dma_start3A_309 = arith.constant 0 : i32
        %dma_start3A_310 = arith.constant 0 : i32
        %dma_start3A_311 = tpu.memref_slice %arg6[%rem3A_266, %dma_start3A_309, %dma_start3A_310] : memref<4x80x128xf32, #tpu.memory_space<vmem>> -> memref<1x80x128xf32, #tpu.memory_space<vmem>>
        %dma_start3A_312 = tpu.memref_squeeze %dma_start3A_311 : memref<1x80x128xf32, #tpu.memory_space<vmem>> -> memref<80x128xf32, #tpu.memory_space<vmem>>
        %dma_start3A_313 = arith.constant 0 : i32
        %dma_start3A_314 = tpu.memref_slice %arg5[%rem3A_292, %rem3A_294, %dma_start3A_308, %dma_start3A_313] : memref<2x5x3x80xi32, #tpu.memory_space<vmem>> -> memref<1x1x1x80xi32, #tpu.memory_space<vmem>>
        %dma_start3A_315 = tpu.memref_squeeze %dma_start3A_314 : memref<1x1x1x80xi32, #tpu.memory_space<vmem>> -> memref<80xi32, #tpu.memory_space<vmem>>
        %dma_start3A_316 = arith.constant 0 : i32
        %dma_start3A_317 = arith.constant 0 : i32
        %dma_start3A_318 = tpu.memref_slice %arg2[%dma_start3A_316, %dma_start3A_317] : memref<20000x128xf32, #tpu.memory_space<hbm>> -> memref<20000x128xf32, #tpu.memory_space<hbm>>
        %dma_start3A_319 = tpu.memref_slice %arg9[%rem3A_266] : memref<4x!tpu.dma_semaphore, #tpu.memory_space<semaphore_mem>> -> memref<1x!tpu.dma_semaphore, #tpu.memory_space<semaphore_mem>>
        %dma_start3A_320 = tpu.memref_squeeze %dma_start3A_319 : memref<1x!tpu.dma_semaphore, #tpu.memory_space<semaphore_mem>> -> memref<!tpu.dma_semaphore, #tpu.memory_space<semaphore_mem>>
        tpu.enqueue_indirect_dma source(%dma_start3A_318 : memref<20000x128xf32, #tpu.memory_space<hbm>>) target(%dma_start3A_312 : memref<80x128xf32, #tpu.memory_space<vmem>>) offsets(%dma_start3A_315 : memref<80xi32, #tpu.memory_space<vmem>>) semaphore(%dma_start3A_320 : memref<!tpu.dma_semaphore, #tpu.memory_space<semaphore_mem>>) {add = true}
      } else {
      }
      %dma_wait3A_234 = arith.constant 1 : i32
      %dma_wait3A_235 = arith.constant 0 : i32
      %dma_wait3A_236 = arith.constant 0 : i32
      %dma_wait3A_237 = tpu.memref_slice %arg6[%rem3A_182, %dma_wait3A_235, %dma_wait3A_236] : memref<4x80x128xf32, #tpu.memory_space<vmem>> -> memref<1x80x128xf32, #tpu.memory_space<vmem>>
      %dma_wait3A_238 = tpu.memref_squeeze %dma_wait3A_237 : memref<1x80x128xf32, #tpu.memory_space<vmem>> -> memref<80x128xf32, #tpu.memory_space<vmem>>
      %dma_wait3A_239 = arith.constant 0 : i32
      %dma_wait3A_240 = tpu.memref_slice %arg5[%rem3A_201, %rem3A_203, %dma_wait3A_234, %dma_wait3A_239] : memref<2x5x3x80xi32, #tpu.memory_space<vmem>> -> memref<1x1x1x80xi32, #tpu.memory_space<vmem>>
      %dma_wait3A_241 = tpu.memref_squeeze %dma_wait3A_240 : memref<1x1x1x80xi32, #tpu.memory_space<vmem>> -> memref<80xi32, #tpu.memory_space<vmem>>
      %dma_wait3A_242 = arith.constant 0 : i32
      %dma_wait3A_243 = arith.constant 0 : i32
      %dma_wait3A_244 = tpu.memref_slice %arg2[%dma_wait3A_242, %dma_wait3A_243] : memref<20000x128xf32, #tpu.memory_space<hbm>> -> memref<20000x128xf32, #tpu.memory_space<hbm>>
      %dma_wait3A_245 = tpu.memref_slice %arg9[%rem3A_182] : memref<4x!tpu.dma_semaphore, #tpu.memory_space<semaphore_mem>> -> memref<1x!tpu.dma_semaphore, #tpu.memory_space<semaphore_mem>>
      %dma_wait3A_246 = tpu.memref_squeeze %dma_wait3A_245 : memref<1x!tpu.dma_semaphore, #tpu.memory_space<semaphore_mem>> -> memref<!tpu.dma_semaphore, #tpu.memory_space<semaphore_mem>>
      tpu.wait_indirect_dma semaphore(%dma_wait3A_246 : memref<!tpu.dma_semaphore, #tpu.memory_space<semaphore_mem>>) src(%dma_wait3A_244 : memref<20000x128xf32, #tpu.memory_space<hbm>>) dst(%dma_wait3A_238 : memref<80x128xf32, #tpu.memory_space<vmem>>)
      %parallel_loop3A_247 = arith.constant 0 : i32
      %parallel_loop3A_248 = arith.constant 80 : i32
      %parallel_loop3A_249 = arith.constant 1 : i32
      scf.for %parallel_loop3A_263 = %parallel_loop3A_247 to %parallel_loop3A_248 step %parallel_loop3A_249  : i32 {
        %parallel_loop3A_264 = arith.index_cast %rem3A_182 : i32 to index
        %parallel_loop3A_265 = arith.index_cast %parallel_loop3A_263 : i32 to index
        %parallel_loop3A_266 = arith.constant 0 : index
        %parallel_loop3A_267 = tpu.vector_load %arg6[%parallel_loop3A_264, %parallel_loop3A_265, %parallel_loop3A_266] {strides = array<i32>} : memref<4x80x128xf32, #tpu.memory_space<vmem>>, vector<1x1x16xf32>,
        %parallel_loop3A_268 = vector.shape_cast %parallel_loop3A_267 : vector<1x1x16xf32> to vector<16xf32>
        %parallel_loop3A_269 = arith.constant 0.000000e+00 : f32
        %parallel_loop3A_270 = vector.broadcast %parallel_loop3A_269 : f32 to vector<16xf32>
        %parallel_loop3A_271 = arith.maximumf %parallel_loop3A_268, %parallel_loop3A_270 : vector<16xf32>
        %parallel_loop3A_272 = arith.index_cast %rem3A_182 : i32 to index
        %parallel_loop3A_273 = arith.index_cast %parallel_loop3A_263 : i32 to index
        %parallel_loop3A_274 = arith.constant 0 : index
        %parallel_loop3A_275 = tpu.vector_load %arg6[%parallel_loop3A_272, %parallel_loop3A_273, %parallel_loop3A_274] {strides = array<i32>} : memref<4x80x128xf32, #tpu.memory_space<vmem>>, vector<1x1x16xf32>,
        %parallel_loop3A_276 = vector.shape_cast %parallel_loop3A_275 : vector<1x1x16xf32> to vector<16xf32>
        %parallel_loop3A_277 = vector.shape_cast %parallel_loop3A_271 : vector<16xf32> to vector<1x1x16xf32>
        tpu.vector_store %arg6[%parallel_loop3A_272, %parallel_loop3A_273, %parallel_loop3A_274], %parallel_loop3A_277 {strides = array<i32>} : memref<4x80x128xf32, #tpu.memory_space<vmem>>, vector<1x1x16xf32>,
        %parallel_loop3A_278 = arith.index_cast %rem3A_182 : i32 to index
        %parallel_loop3A_279 = arith.index_cast %parallel_loop3A_263 : i32 to index
        %parallel_loop3A_280 = arith.constant 16 : index
        %parallel_loop3A_281 = tpu.vector_load %arg6[%parallel_loop3A_278, %parallel_loop3A_279, %parallel_loop3A_280] {strides = array<i32>} : memref<4x80x128xf32, #tpu.memory_space<vmem>>, vector<1x1x16xf32>,
        %parallel_loop3A_282 = vector.shape_cast %parallel_loop3A_281 : vector<1x1x16xf32> to vector<16xf32>
        %parallel_loop3A_283 = arith.constant 0.000000e+00 : f32
        %parallel_loop3A_284 = vector.broadcast %parallel_loop3A_283 : f32 to vector<16xf32>
        %parallel_loop3A_285 = arith.maximumf %parallel_loop3A_282, %parallel_loop3A_284 : vector<16xf32>
        %parallel_loop3A_286 = arith.index_cast %rem3A_182 : i32 to index
        %parallel_loop3A_287 = arith.index_cast %parallel_loop3A_263 : i32 to index
        %parallel_loop3A_288 = arith.constant 16 : index
        %parallel_loop3A_289 = tpu.vector_load %arg6[%parallel_loop3A_286, %parallel_loop3A_287, %parallel_loop3A_288] {strides = array<i32>} : memref<4x80x128xf32, #tpu.memory_space<vmem>>, vector<1x1x16xf32>,
        %parallel_loop3A_290 = vector.shape_cast %parallel_loop3A_289 : vector<1x1x16xf32> to vector<16xf32>
        %parallel_loop3A_291 = vector.shape_cast %parallel_loop3A_285 : vector<16xf32> to vector<1x1x16xf32>
        tpu.vector_store %arg6[%parallel_loop3A_286, %parallel_loop3A_287, %parallel_loop3A_288], %parallel_loop3A_291 {strides = array<i32>} : memref<4x80x128xf32, #tpu.memory_space<vmem>>, vector<1x1x16xf32>,
        %parallel_loop3A_292 = arith.index_cast %rem3A_182 : i32 to index
        %parallel_loop3A_293 = arith.index_cast %parallel_loop3A_263 : i32 to index
        %parallel_loop3A_294 = arith.constant 32 : index
        %parallel_loop3A_295 = tpu.vector_load %arg6[%parallel_loop3A_292, %parallel_loop3A_293, %parallel_loop3A_294] {strides = array<i32>} : memref<4x80x128xf32, #tpu.memory_space<vmem>>, vector<1x1x16xf32>,
        %parallel_loop3A_296 = vector.shape_cast %parallel_loop3A_295 : vector<1x1x16xf32> to vector<16xf32>
        %parallel_loop3A_297 = arith.constant 0.000000e+00 : f32
        %parallel_loop3A_298 = vector.broadcast %parallel_loop3A_297 : f32 to vector<16xf32>
        %parallel_loop3A_299 = arith.maximumf %parallel_loop3A_296, %parallel_loop3A_298 : vector<16xf32>
        %parallel_loop3A_300 = arith.index_cast %rem3A_182 : i32 to index
        %parallel_loop3A_301 = arith.index_cast %parallel_loop3A_263 : i32 to index
        %parallel_loop3A_302 = arith.constant 32 : index
        %parallel_loop3A_303 = tpu.vector_load %arg6[%parallel_loop3A_300, %parallel_loop3A_301, %parallel_loop3A_302] {strides = array<i32>} : memref<4x80x128xf32, #tpu.memory_space<vmem>>, vector<1x1x16xf32>,
        %parallel_loop3A_304 = vector.shape_cast %parallel_loop3A_303 : vector<1x1x16xf32> to vector<16xf32>
        %parallel_loop3A_305 = vector.shape_cast %parallel_loop3A_299 : vector<16xf32> to vector<1x1x16xf32>
        tpu.vector_store %arg6[%parallel_loop3A_300, %parallel_loop3A_301, %parallel_loop3A_302], %parallel_loop3A_305 {strides = array<i32>} : memref<4x80x128xf32, #tpu.memory_space<vmem>>, vector<1x1x16xf32>,
        %parallel_loop3A_306 = arith.index_cast %rem3A_182 : i32 to index
        %parallel_loop3A_307 = arith.index_cast %parallel_loop3A_263 : i32 to index
        %parallel_loop3A_308 = arith.constant 48 : index
        %parallel_loop3A_309 = tpu.vector_load %arg6[%parallel_loop3A_306, %parallel_loop3A_307, %parallel_loop3A_308] {strides = array<i32>} : memref<4x80x128xf32, #tpu.memory_space<vmem>>, vector<1x1x16xf32>,
        %parallel_loop3A_310 = vector.shape_cast %parallel_loop3A_309 : vector<1x1x16xf32> to vector<16xf32>
        %parallel_loop3A_311 = arith.constant 0.000000e+00 : f32
        %parallel_loop3A_312 = vector.broadcast %parallel_loop3A_311 : f32 to vector<16xf32>
        %parallel_loop3A_313 = arith.maximumf %parallel_loop3A_310, %parallel_loop3A_312 : vector<16xf32>
        %parallel_loop3A_314 = arith.index_cast %rem3A_182 : i32 to index
        %parallel_loop3A_315 = arith.index_cast %parallel_loop3A_263 : i32 to index
        %parallel_loop3A_316 = arith.constant 48 : index
        %parallel_loop3A_317 = tpu.vector_load %arg6[%parallel_loop3A_314, %parallel_loop3A_315, %parallel_loop3A_316] {strides = array<i32>} : memref<4x80x128xf32, #tpu.memory_space<vmem>>, vector<1x1x16xf32>,
        %parallel_loop3A_318 = vector.shape_cast %parallel_loop3A_317 : vector<1x1x16xf32> to vector<16xf32>
        %parallel_loop3A_319 = vector.shape_cast %parallel_loop3A_313 : vector<16xf32> to vector<1x1x16xf32>
        tpu.vector_store %arg6[%parallel_loop3A_314, %parallel_loop3A_315, %parallel_loop3A_316], %parallel_loop3A_319 {strides = array<i32>} : memref<4x80x128xf32, #tpu.memory_space<vmem>>, vector<1x1x16xf32>,
        %parallel_loop3A_320 = arith.index_cast %rem3A_182 : i32 to index
        %parallel_loop3A_321 = arith.index_cast %parallel_loop3A_263 : i32 to index
        %parallel_loop3A_322 = arith.constant 64 : index
        %parallel_loop3A_323 = tpu.vector_load %arg6[%parallel_loop3A_320, %parallel_loop3A_321, %parallel_loop3A_322] {strides = array<i32>} : memref<4x80x128xf32, #tpu.memory_space<vmem>>, vector<1x1x16xf32>,
        %parallel_loop3A_324 = vector.shape_cast %parallel_loop3A_323 : vector<1x1x16xf32> to vector<16xf32>
        %parallel_loop3A_325 = arith.constant 0.000000e+00 : f32
        %parallel_loop3A_326 = vector.broadcast %parallel_loop3A_325 : f32 to vector<16xf32>
        %parallel_loop3A_327 = arith.maximumf %parallel_loop3A_324, %parallel_loop3A_326 : vector<16xf32>
        %parallel_loop3A_328 = arith.index_cast %rem3A_182 : i32 to index
        %parallel_loop3A_329 = arith.index_cast %parallel_loop3A_263 : i32 to index
        %parallel_loop3A_330 = arith.constant 64 : index
        %parallel_loop3A_331 = tpu.vector_load %arg6[%parallel_loop3A_328, %parallel_loop3A_329, %parallel_loop3A_330] {strides = array<i32>} : memref<4x80x128xf32, #tpu.memory_space<vmem>>, vector<1x1x16xf32>,
        %parallel_loop3A_332 = vector.shape_cast %parallel_loop3A_331 : vector<1x1x16xf32> to vector<16xf32>
        %parallel_loop3A_333 = vector.shape_cast %parallel_loop3A_327 : vector<16xf32> to vector<1x1x16xf32>
        tpu.vector_store %arg6[%parallel_loop3A_328, %parallel_loop3A_329, %parallel_loop3A_330], %parallel_loop3A_333 {strides = array<i32>} : memref<4x80x128xf32, #tpu.memory_space<vmem>>, vector<1x1x16xf32>,
        %parallel_loop3A_334 = arith.index_cast %rem3A_182 : i32 to index
        %parallel_loop3A_335 = arith.index_cast %parallel_loop3A_263 : i32 to index
        %parallel_loop3A_336 = arith.constant 80 : index
        %parallel_loop3A_337 = tpu.vector_load %arg6[%parallel_loop3A_334, %parallel_loop3A_335, %parallel_loop3A_336] {strides = array<i32>} : memref<4x80x128xf32, #tpu.memory_space<vmem>>, vector<1x1x16xf32>,
        %parallel_loop3A_338 = vector.shape_cast %parallel_loop3A_337 : vector<1x1x16xf32> to vector<16xf32>
        %parallel_loop3A_339 = arith.constant 0.000000e+00 : f32
        %parallel_loop3A_340 = vector.broadcast %parallel_loop3A_339 : f32 to vector<16xf32>
        %parallel_loop3A_341 = arith.maximumf %parallel_loop3A_338, %parallel_loop3A_340 : vector<16xf32>
        %parallel_loop3A_342 = arith.index_cast %rem3A_182 : i32 to index
        %parallel_loop3A_343 = arith.index_cast %parallel_loop3A_263 : i32 to index
        %parallel_loop3A_344 = arith.constant 80 : index
        %parallel_loop3A_345 = tpu.vector_load %arg6[%parallel_loop3A_342, %parallel_loop3A_343, %parallel_loop3A_344] {strides = array<i32>} : memref<4x80x128xf32, #tpu.memory_space<vmem>>, vector<1x1x16xf32>,
        %parallel_loop3A_346 = vector.shape_cast %parallel_loop3A_345 : vector<1x1x16xf32> to vector<16xf32>
        %parallel_loop3A_347 = vector.shape_cast %parallel_loop3A_341 : vector<16xf32> to vector<1x1x16xf32>
        tpu.vector_store %arg6[%parallel_loop3A_342, %parallel_loop3A_343, %parallel_loop3A_344], %parallel_loop3A_347 {strides = array<i32>} : memref<4x80x128xf32, #tpu.memory_space<vmem>>, vector<1x1x16xf32>,
        %parallel_loop3A_348 = arith.index_cast %rem3A_182 : i32 to index
        %parallel_loop3A_349 = arith.index_cast %parallel_loop3A_263 : i32 to index
        %parallel_loop3A_350 = arith.constant 96 : index
        %parallel_loop3A_351 = tpu.vector_load %arg6[%parallel_loop3A_348, %parallel_loop3A_349, %parallel_loop3A_350] {strides = array<i32>} : memref<4x80x128xf32, #tpu.memory_space<vmem>>, vector<1x1x16xf32>,
        %parallel_loop3A_352 = vector.shape_cast %parallel_loop3A_351 : vector<1x1x16xf32> to vector<16xf32>
        %parallel_loop3A_353 = arith.constant 0.000000e+00 : f32
        %parallel_loop3A_354 = vector.broadcast %parallel_loop3A_353 : f32 to vector<16xf32>
        %parallel_loop3A_355 = arith.maximumf %parallel_loop3A_352, %parallel_loop3A_354 : vector<16xf32>
        %parallel_loop3A_356 = arith.index_cast %rem3A_182 : i32 to index
        %parallel_loop3A_357 = arith.index_cast %parallel_loop3A_263 : i32 to index
        %parallel_loop3A_358 = arith.constant 96 : index
        %parallel_loop3A_359 = tpu.vector_load %arg6[%parallel_loop3A_356, %parallel_loop3A_357, %parallel_loop3A_358] {strides = array<i32>} : memref<4x80x128xf32, #tpu.memory_space<vmem>>, vector<1x1x16xf32>,
        %parallel_loop3A_360 = vector.shape_cast %parallel_loop3A_359 : vector<1x1x16xf32> to vector<16xf32>
        %parallel_loop3A_361 = vector.shape_cast %parallel_loop3A_355 : vector<16xf32> to vector<1x1x16xf32>
        tpu.vector_store %arg6[%parallel_loop3A_356, %parallel_loop3A_357, %parallel_loop3A_358], %parallel_loop3A_361 {strides = array<i32>} : memref<4x80x128xf32, #tpu.memory_space<vmem>>, vector<1x1x16xf32>,
        %parallel_loop3A_362 = arith.index_cast %rem3A_182 : i32 to index
        %parallel_loop3A_363 = arith.index_cast %parallel_loop3A_263 : i32 to index
        %parallel_loop3A_364 = arith.constant 112 : index
        %parallel_loop3A_365 = tpu.vector_load %arg6[%parallel_loop3A_362, %parallel_loop3A_363, %parallel_loop3A_364] {strides = array<i32>} : memref<4x80x128xf32, #tpu.memory_space<vmem>>, vector<1x1x16xf32>,
        %parallel_loop3A_366 = vector.shape_cast %parallel_loop3A_365 : vector<1x1x16xf32> to vector<16xf32>
        %parallel_loop3A_367 = arith.constant 0.000000e+00 : f32
        %parallel_loop3A_368 = vector.broadcast %parallel_loop3A_367 : f32 to vector<16xf32>
        %parallel_loop3A_369 = arith.maximumf %parallel_loop3A_366, %parallel_loop3A_368 : vector<16xf32>
        %parallel_loop3A_370 = arith.index_cast %rem3A_182 : i32 to index
        %parallel_loop3A_371 = arith.index_cast %parallel_loop3A_263 : i32 to index
        %parallel_loop3A_372 = arith.constant 112 : index
        %parallel_loop3A_373 = tpu.vector_load %arg6[%parallel_loop3A_370, %parallel_loop3A_371, %parallel_loop3A_372] {strides = array<i32>} : memref<4x80x128xf32, #tpu.memory_space<vmem>>, vector<1x1x16xf32>,
        %parallel_loop3A_374 = vector.shape_cast %parallel_loop3A_373 : vector<1x1x16xf32> to vector<16xf32>
        %parallel_loop3A_375 = vector.shape_cast %parallel_loop3A_369 : vector<16xf32> to vector<1x1x16xf32>
        tpu.vector_store %arg6[%parallel_loop3A_370, %parallel_loop3A_371, %parallel_loop3A_372], %parallel_loop3A_375 {strides = array<i32>} : memref<4x80x128xf32, #tpu.memory_space<vmem>>, vector<1x1x16xf32>,
      } {sc.loop_unroll_factor = 8 : i64, sc.parallel_access}
      %dma_start3A_250 = arith.constant 2 : i32
      %dma_start3A_251 = arith.constant 0 : i32
      %dma_start3A_252 = arith.constant 0 : i32
      %dma_start3A_253 = tpu.memref_slice %arg6[%rem3A_182, %dma_start3A_251, %dma_start3A_252] : memref<4x80x128xf32, #tpu.memory_space<vmem>> -> memref<1x80x128xf32, #tpu.memory_space<vmem>>
      %dma_start3A_254 = tpu.memref_squeeze %dma_start3A_253 : memref<1x80x128xf32, #tpu.memory_space<vmem>> -> memref<80x128xf32, #tpu.memory_space<vmem>>
      %dma_start3A_255 = arith.constant 0 : i32
      %dma_start3A_256 = tpu.memref_slice %arg5[%rem3A_201, %rem3A_203, %dma_start3A_250, %dma_start3A_255] : memref<2x5x3x80xi32, #tpu.memory_space<vmem>> -> memref<1x1x1x80xi32, #tpu.memory_space<vmem>>
      %dma_start3A_257 = tpu.memref_squeeze %dma_start3A_256 : memref<1x1x1x80xi32, #tpu.memory_space<vmem>> -> memref<80xi32, #tpu.memory_space<vmem>>
      %dma_start3A_258 = arith.constant 0 : i32
      %dma_start3A_259 = arith.constant 0 : i32
      %dma_start3A_260 = tpu.memref_slice %arg7[%dma_start3A_258, %dma_start3A_259] : memref<10112x128xf32, #tpu.memory_space<vmem_shared>> -> memref<10112x128xf32, #tpu.memory_space<vmem_shared>>
      %dma_start3A_261 = tpu.memref_slice %arg10[%rem3A_182] : memref<4x!tpu.dma_semaphore, #tpu.memory_space<semaphore_mem>> -> memref<1x!tpu.dma_semaphore, #tpu.memory_space<semaphore_mem>>
      %dma_start3A_262 = tpu.memref_squeeze %dma_start3A_261 : memref<1x!tpu.dma_semaphore, #tpu.memory_space<semaphore_mem>> -> memref<!tpu.dma_semaphore, #tpu.memory_space<semaphore_mem>>
      tpu.enqueue_indirect_dma source(%dma_start3A_254 : memref<80x128xf32, #tpu.memory_space<vmem>>) target(%dma_start3A_260 : memref<10112x128xf32, #tpu.memory_space<vmem_shared>>) offsets(%dma_start3A_257 : memref<80xi32, #tpu.memory_space<vmem>>) semaphore(%dma_start3A_262 : memref<!tpu.dma_semaphore, #tpu.memory_space<semaphore_mem>>) {add = true}
    }
    %scan3A_110 = arith.constant 125 : i32
    %dma_wait3A_111 = arith.constant 0 : i32
    %dma_wait3A_112 = arith.constant 0 : i32
    %dma_wait3A_113 = arith.constant 0 : i32
    %dma_wait3A_114 = arith.constant 2 : i32
    %dma_wait3A_115 = arith.constant 0 : i32
    %dma_wait3A_116 = arith.constant 0 : i32
    %dma_wait3A_117 = arith.constant 0 : i32
    %dma_wait3A_118 = tpu.memref_slice %arg6[%dma_wait3A_111, %dma_wait3A_116, %dma_wait3A_117] : memref<4x80x128xf32, #tpu.memory_space<vmem>> -> memref<1x80x128xf32, #tpu.memory_space<vmem>>
    %dma_wait3A_119 = tpu.memref_squeeze %dma_wait3A_118 : memref<1x80x128xf32, #tpu.memory_space<vmem>> -> memref<80x128xf32, #tpu.memory_space<vmem>>
    %dma_wait3A_120 = arith.constant 0 : i32
    %dma_wait3A_121 = tpu.memref_slice %arg5[%dma_wait3A_112, %dma_wait3A_113, %dma_wait3A_114, %dma_wait3A_120] : memref<2x5x3x80xi32, #tpu.memory_space<vmem>> -> memref<1x1x1x80xi32, #tpu.memory_space<vmem>>
    %dma_wait3A_122 = tpu.memref_squeeze %dma_wait3A_121 : memref<1x1x1x80xi32, #tpu.memory_space<vmem>> -> memref<80xi32, #tpu.memory_space<vmem>>
    %dma_wait3A_123 = arith.constant 0 : i32
    %dma_wait3A_124 = arith.constant 0 : i32
    %dma_wait3A_125 = tpu.memref_slice %arg7[%dma_wait3A_123, %dma_wait3A_124] : memref<10112x128xf32, #tpu.memory_space<vmem_shared>> -> memref<10112x128xf32, #tpu.memory_space<vmem_shared>>
    %dma_wait3A_126 = tpu.memref_slice %arg10[%dma_wait3A_115] : memref<4x!tpu.dma_semaphore, #tpu.memory_space<semaphore_mem>> -> memref<1x!tpu.dma_semaphore, #tpu.memory_space<semaphore_mem>>
    %dma_wait3A_127 = tpu.memref_squeeze %dma_wait3A_126 : memref<1x!tpu.dma_semaphore, #tpu.memory_space<semaphore_mem>> -> memref<!tpu.dma_semaphore, #tpu.memory_space<semaphore_mem>>
    tpu.wait_indirect_dma semaphore(%dma_wait3A_127 : memref<!tpu.dma_semaphore, #tpu.memory_space<semaphore_mem>>) src(%dma_wait3A_119 : memref<80x128xf32, #tpu.memory_space<vmem>>) dst(%dma_wait3A_125 : memref<10112x128xf32, #tpu.memory_space<vmem_shared>>)
    %dma_wait3A_128 = arith.constant 1 : i32
    %dma_wait3A_129 = arith.constant 0 : i32
    %dma_wait3A_130 = arith.constant 0 : i32
    %dma_wait3A_131 = arith.constant 2 : i32
    %dma_wait3A_132 = arith.constant 1 : i32
    %dma_wait3A_133 = arith.constant 0 : i32
    %dma_wait3A_134 = arith.constant 0 : i32
    %dma_wait3A_135 = tpu.memref_slice %arg6[%dma_wait3A_128, %dma_wait3A_133, %dma_wait3A_134] : memref<4x80x128xf32, #tpu.memory_space<vmem>> -> memref<1x80x128xf32, #tpu.memory_space<vmem>>
    %dma_wait3A_136 = tpu.memref_squeeze %dma_wait3A_135 : memref<1x80x128xf32, #tpu.memory_space<vmem>> -> memref<80x128xf32, #tpu.memory_space<vmem>>
    %dma_wait3A_137 = arith.constant 0 : i32
    %dma_wait3A_138 = tpu.memref_slice %arg5[%dma_wait3A_129, %dma_wait3A_130, %dma_wait3A_131, %dma_wait3A_137] : memref<2x5x3x80xi32, #tpu.memory_space<vmem>> -> memref<1x1x1x80xi32, #tpu.memory_space<vmem>>
    %dma_wait3A_139 = tpu.memref_squeeze %dma_wait3A_138 : memref<1x1x1x80xi32, #tpu.memory_space<vmem>> -> memref<80xi32, #tpu.memory_space<vmem>>
    %dma_wait3A_140 = arith.constant 0 : i32
    %dma_wait3A_141 = arith.constant 0 : i32
    %dma_wait3A_142 = tpu.memref_slice %arg7[%dma_wait3A_140, %dma_wait3A_141] : memref<10112x128xf32, #tpu.memory_space<vmem_shared>> -> memref<10112x128xf32, #tpu.memory_space<vmem_shared>>
    %dma_wait3A_143 = tpu.memref_slice %arg10[%dma_wait3A_132] : memref<4x!tpu.dma_semaphore, #tpu.memory_space<semaphore_mem>> -> memref<1x!tpu.dma_semaphore, #tpu.memory_space<semaphore_mem>>
    %dma_wait3A_144 = tpu.memref_squeeze %dma_wait3A_143 : memref<1x!tpu.dma_semaphore, #tpu.memory_space<semaphore_mem>> -> memref<!tpu.dma_semaphore, #tpu.memory_space<semaphore_mem>>
    tpu.wait_indirect_dma semaphore(%dma_wait3A_144 : memref<!tpu.dma_semaphore, #tpu.memory_space<semaphore_mem>>) src(%dma_wait3A_136 : memref<80x128xf32, #tpu.memory_space<vmem>>) dst(%dma_wait3A_142 : memref<10112x128xf32, #tpu.memory_space<vmem_shared>>)
    %dma_wait3A_145 = arith.constant 2 : i32
    %dma_wait3A_146 = arith.constant 0 : i32
    %dma_wait3A_147 = arith.constant 0 : i32
    %dma_wait3A_148 = arith.constant 2 : i32
    %dma_wait3A_149 = arith.constant 2 : i32
    %dma_wait3A_150 = arith.constant 0 : i32
    %dma_wait3A_151 = arith.constant 0 : i32
    %dma_wait3A_152 = tpu.memref_slice %arg6[%dma_wait3A_145, %dma_wait3A_150, %dma_wait3A_151] : memref<4x80x128xf32, #tpu.memory_space<vmem>> -> memref<1x80x128xf32, #tpu.memory_space<vmem>>
    %dma_wait3A_153 = tpu.memref_squeeze %dma_wait3A_152 : memref<1x80x128xf32, #tpu.memory_space<vmem>> -> memref<80x128xf32, #tpu.memory_space<vmem>>
    %dma_wait3A_154 = arith.constant 0 : i32
    %dma_wait3A_155 = tpu.memref_slice %arg5[%dma_wait3A_146, %dma_wait3A_147, %dma_wait3A_148, %dma_wait3A_154] : memref<2x5x3x80xi32, #tpu.memory_space<vmem>> -> memref<1x1x1x80xi32, #tpu.memory_space<vmem>>
    %dma_wait3A_156 = tpu.memref_squeeze %dma_wait3A_155 : memref<1x1x1x80xi32, #tpu.memory_space<vmem>> -> memref<80xi32, #tpu.memory_space<vmem>>
    %dma_wait3A_157 = arith.constant 0 : i32
    %dma_wait3A_158 = arith.constant 0 : i32
    %dma_wait3A_159 = tpu.memref_slice %arg7[%dma_wait3A_157, %dma_wait3A_158] : memref<10112x128xf32, #tpu.memory_space<vmem_shared>> -> memref<10112x128xf32, #tpu.memory_space<vmem_shared>>
    %dma_wait3A_160 = tpu.memref_slice %arg10[%dma_wait3A_149] : memref<4x!tpu.dma_semaphore, #tpu.memory_space<semaphore_mem>> -> memref<1x!tpu.dma_semaphore, #tpu.memory_space<semaphore_mem>>
    %dma_wait3A_161 = tpu.memref_squeeze %dma_wait3A_160 : memref<1x!tpu.dma_semaphore, #tpu.memory_space<semaphore_mem>> -> memref<!tpu.dma_semaphore, #tpu.memory_space<semaphore_mem>>
    tpu.wait_indirect_dma semaphore(%dma_wait3A_161 : memref<!tpu.dma_semaphore, #tpu.memory_space<semaphore_mem>>) src(%dma_wait3A_153 : memref<80x128xf32, #tpu.memory_space<vmem>>) dst(%dma_wait3A_159 : memref<10112x128xf32, #tpu.memory_space<vmem_shared>>)
    %dma_wait3A_162 = arith.constant 3 : i32
    %dma_wait3A_163 = arith.constant 0 : i32
    %dma_wait3A_164 = arith.constant 0 : i32
    %dma_wait3A_165 = arith.constant 2 : i32
    %dma_wait3A_166 = arith.constant 3 : i32
    %dma_wait3A_167 = arith.constant 0 : i32
    %dma_wait3A_168 = arith.constant 0 : i32
    %dma_wait3A_169 = tpu.memref_slice %arg6[%dma_wait3A_162, %dma_wait3A_167, %dma_wait3A_168] : memref<4x80x128xf32, #tpu.memory_space<vmem>> -> memref<1x80x128xf32, #tpu.memory_space<vmem>>
    %dma_wait3A_170 = tpu.memref_squeeze %dma_wait3A_169 : memref<1x80x128xf32, #tpu.memory_space<vmem>> -> memref<80x128xf32, #tpu.memory_space<vmem>>
    %dma_wait3A_171 = arith.constant 0 : i32
    %dma_wait3A_172 = tpu.memref_slice %arg5[%dma_wait3A_163, %dma_wait3A_164, %dma_wait3A_165, %dma_wait3A_171] : memref<2x5x3x80xi32, #tpu.memory_space<vmem>> -> memref<1x1x1x80xi32, #tpu.memory_space<vmem>>
    %dma_wait3A_173 = tpu.memref_squeeze %dma_wait3A_172 : memref<1x1x1x80xi32, #tpu.memory_space<vmem>> -> memref<80xi32, #tpu.memory_space<vmem>>
    %dma_wait3A_174 = arith.constant 0 : i32
    %dma_wait3A_175 = arith.constant 0 : i32
    %dma_wait3A_176 = tpu.memref_slice %arg7[%dma_wait3A_174, %dma_wait3A_175] : memref<10112x128xf32, #tpu.memory_space<vmem_shared>> -> memref<10112x128xf32, #tpu.memory_space<vmem_shared>>
    %dma_wait3A_177 = tpu.memref_slice %arg10[%dma_wait3A_166] : memref<4x!tpu.dma_semaphore, #tpu.memory_space<semaphore_mem>> -> memref<1x!tpu.dma_semaphore, #tpu.memory_space<semaphore_mem>>
    %dma_wait3A_178 = tpu.memref_squeeze %dma_wait3A_177 : memref<1x!tpu.dma_semaphore, #tpu.memory_space<semaphore_mem>> -> memref<!tpu.dma_semaphore, #tpu.memory_space<semaphore_mem>>
    tpu.wait_indirect_dma semaphore(%dma_wait3A_178 : memref<!tpu.dma_semaphore, #tpu.memory_space<semaphore_mem>>) src(%dma_wait3A_170 : memref<80x128xf32, #tpu.memory_space<vmem>>) dst(%dma_wait3A_176 : memref<10112x128xf32, #tpu.memory_space<vmem_shared>>)
    %barrier3A_179 = arith.constant 0 : index
    tpu.barrier barrier_id(%barrier3A_179)
    "tpu.region"() ({
      %run_scoped3A_180 = tpu.sem_alloc : memref<!tpu.dma_semaphore, #tpu.memory_space<semaphore_mem>>
      %dma_start3A_181 = arith.constant 0 : i32
      %dma_start3A_182 = tpu.memref_slice %arg4[%arg0, %mul3A_2, %dma_start3A_181] : memref<2x10112x128xf32, #tpu.memory_space<hbm>> -> memref<1x632x128xf32, #tpu.memory_space<hbm>>
      %dma_start3A_183 = tpu.memref_squeeze %dma_start3A_182 : memref<1x632x128xf32, #tpu.memory_space<hbm>> -> memref<632x128xf32, #tpu.memory_space<hbm>>
      %dma_start3A_184 = arith.constant 0 : i32
      %dma_start3A_185 = tpu.memref_slice %arg7[%mul3A_2, %dma_start3A_184] : memref<10112x128xf32, #tpu.memory_space<vmem_shared>> -> memref<632x128xf32, #tpu.memory_space<vmem_shared>>
      tpu.enqueue_dma source(%dma_start3A_185 : memref<632x128xf32, #tpu.memory_space<vmem_shared>>) target(%dma_start3A_183 : memref<632x128xf32, #tpu.memory_space<hbm>>) target_semaphore(%run_scoped3A_180 : memref<!tpu.dma_semaphore, #tpu.memory_space<semaphore_mem>>)
      %dma_wait3A_186 = arith.constant 0 : i32
      %dma_wait3A_187 = tpu.memref_slice %arg4[%arg0, %mul3A_2, %dma_wait3A_186] : memref<2x10112x128xf32, #tpu.memory_space<hbm>> -> memref<1x632x128xf32, #tpu.memory_space<hbm>>
      %dma_wait3A_188 = tpu.memref_squeeze %dma_wait3A_187 : memref<1x632x128xf32, #tpu.memory_space<hbm>> -> memref<632x128xf32, #tpu.memory_space<hbm>>
      %dma_wait3A_189 = arith.constant 0 : i32
      %dma_wait3A_190 = tpu.memref_slice %arg7[%mul3A_2, %dma_wait3A_189] : memref<10112x128xf32, #tpu.memory_space<vmem_shared>> -> memref<632x128xf32, #tpu.memory_space<vmem_shared>>
      tpu.wait_dma2 semaphore(%run_scoped3A_180 : memref<!tpu.dma_semaphore, #tpu.memory_space<semaphore_mem>>) src(%dma_wait3A_190 : memref<632x128xf32, #tpu.memory_space<vmem_shared>>) dst(%dma_wait3A_188 : memref<632x128xf32, #tpu.memory_space<hbm>>)
      tpu.yield
    }) : () -> ()
    return
  }
}

module attributes {stable_mosaic.version = 14 : i64} {
  func.func @_s1_body(%arg0: i32, %arg1: memref<1000x128xf32, #tpu.memory_space<vmem>>, %arg2: memref<1000x1xf32, #tpu.memory_space<vmem>>, %arg3: memref<128x128xf32, #tpu.memory_space<vmem>>, %arg4: memref<128x128xf32, #tpu.memory_space<vmem>>, %arg5: memref<8x16xf32, #tpu.memory_space<vmem>>, %arg6: memref<16x128xf32, #tpu.memory_space<vmem>>, %arg7: memref<16x128xf32, #tpu.memory_space<vmem>>, %arg8: memref<1x128xf32, #tpu.memory_space<vmem>>, %arg9: memref<2x1000x128xf32, #tpu.memory_space<vmem>>) attributes {dimension_semantics = [#tpu.dimension_semantics<arbitrary>], iteration_bounds = array<i64: 10>, scalar_prefetch = 0 : i64, scratch_operands = 0 : i64, tpu.core_type = #tpu.core_type<tc>, window_params = [{transform_indices = @transform_0, window_bounds = array<i64: 1000, 128>}, {transform_indices = @transform_1, window_bounds = array<i64: 1000, 1>}, {pipeline_mode = #tpu.pipeline_mode<synchronous>, transform_indices = @transform_2, window_bounds = array<i64: 128, 128>}, {pipeline_mode = #tpu.pipeline_mode<synchronous>, transform_indices = @transform_3, window_bounds = array<i64: 128, 128>}, {pipeline_mode = #tpu.pipeline_mode<synchronous>, transform_indices = @transform_4, window_bounds = array<i64: 8, 16>}, {pipeline_mode = #tpu.pipeline_mode<synchronous>, transform_indices = @transform_5, window_bounds = array<i64: 16, 128>}, {pipeline_mode = #tpu.pipeline_mode<synchronous>, transform_indices = @transform_6, window_bounds = array<i64: 16, 128>}, {pipeline_mode = #tpu.pipeline_mode<synchronous>, transform_indices = @transform_7, window_bounds = array<i64: 1, 128>}, {transform_indices = @transform_8, window_bounds = array<i64: 2, 1000, 128>}]} {
    %get3A = arith.constant 0 : index
    %get3A_0 = arith.constant 0 : index
    %get3A_1 = vector.load %arg2[%get3A, %get3A_0] : memref<1000x1xf32, #tpu.memory_space<vmem>>, vector<1000x1xf32>
    %iota3A = tpu.iota {dimensions = array<i32: 1>} : vector<1x8xi32>
    %convert_element_type3A = arith.sitofp %iota3A : vector<1x8xi32> to vector<1x8xf32>
    %eq3A = vector.broadcast %get3A_1 : vector<1000x1xf32> to vector<1000x8xf32>
    %eq3A_2 = vector.broadcast %convert_element_type3A : vector<1x8xf32> to vector<1000x8xf32>
    %eq3A_3 = arith.cmpf oeq, %eq3A, %eq3A_2 : vector<1000x8xf32>
    %convert_element_type3A_4 = arith.extui %eq3A_3 : vector<1000x8xi1> to vector<1000x8xi32>
    %convert_element_type3A_5 = arith.sitofp %convert_element_type3A_4 : vector<1000x8xi32> to vector<1000x8xf32>
    %get3A_6 = arith.constant 0 : index
    %get3A_7 = arith.constant 0 : index
    %get3A_8 = vector.load %arg5[%get3A_6, %get3A_7] : memref<8x16xf32, #tpu.memory_space<vmem>>, vector<8x16xf32>
    %get3A_9 = arith.constant 0 : index
    %get3A_10 = arith.constant 0 : index
    %get3A_11 = vector.load %arg6[%get3A_9, %get3A_10] : memref<16x128xf32, #tpu.memory_space<vmem>>, vector<16x128xf32>
    %dot_general3A = arith.constant dense<0.000000e+00> : vector<8x128xf32>
    %dot_general3A_12 = tpu.matmul %get3A_8, %get3A_11, %dot_general3A {dimension_numbers = #tpu.dot_dimension_numbers<[1], [0], [0], [1], [0, 0, 1, 1], [], []>, transpose_lhs_hint = false} : vector<8x16xf32>, vector<16x128xf32>, vector<8x128xf32> -> vector<8x128xf32>
    %get3A_13 = arith.constant 0 : index
    %get3A_14 = arith.constant 0 : index
    %get3A_15 = vector.load %arg5[%get3A_13, %get3A_14] : memref<8x16xf32, #tpu.memory_space<vmem>>, vector<8x16xf32>
    %get3A_16 = arith.constant 0 : index
    %get3A_17 = arith.constant 0 : index
    %get3A_18 = vector.load %arg7[%get3A_16, %get3A_17] : memref<16x128xf32, #tpu.memory_space<vmem>>, vector<16x128xf32>
    %dot_general3A_19 = arith.constant dense<0.000000e+00> : vector<8x128xf32>
    %dot_general3A_20 = tpu.matmul %get3A_15, %get3A_18, %dot_general3A_19 {dimension_numbers = #tpu.dot_dimension_numbers<[1], [0], [0], [1], [0, 0, 1, 1], [], []>, transpose_lhs_hint = false} : vector<8x16xf32>, vector<16x128xf32>, vector<8x128xf32> -> vector<8x128xf32>
    %get3A_21 = arith.constant 0 : index
    %get3A_22 = arith.constant 0 : index
    %get3A_23 = vector.load %arg1[%get3A_21, %get3A_22] : memref<1000x128xf32, #tpu.memory_space<vmem>>, vector<1000x128xf32>
    %get3A_24 = arith.constant 0 : index
    %get3A_25 = arith.constant 0 : index
    %get3A_26 = vector.load %arg3[%get3A_24, %get3A_25] : memref<128x128xf32, #tpu.memory_space<vmem>>, vector<128x128xf32>
    %dot_general3A_27 = arith.constant dense<0.000000e+00> : vector<1000x128xf32>
    %dot_general3A_28 = tpu.matmul %get3A_23, %get3A_26, %dot_general3A_27 {dimension_numbers = #tpu.dot_dimension_numbers<[1], [0], [0], [1], [0, 0, 1, 1], [], []>, transpose_lhs_hint = false} : vector<1000x128xf32>, vector<128x128xf32>, vector<1000x128xf32> -> vector<1000x128xf32>
    %dot_general3A_29 = arith.constant dense<0.000000e+00> : vector<1000x128xf32>
    %dot_general3A_30 = tpu.matmul %convert_element_type3A_5, %dot_general3A_12, %dot_general3A_29 {dimension_numbers = #tpu.dot_dimension_numbers<[1], [0], [0], [1], [0, 0, 1, 1], [], []>, transpose_lhs_hint = false} : vector<1000x8xf32>, vector<8x128xf32>, vector<1000x128xf32> -> vector<1000x128xf32>
    %add3A = arith.addf %dot_general3A_28, %dot_general3A_30 : vector<1000x128xf32>
    %swap3A = arith.constant 0 : index
    %swap3A_31 = arith.constant 0 : index
    %swap3A_32 = arith.constant 0 : index
    %swap3A_33 = vector.load %arg9[%swap3A, %swap3A_31, %swap3A_32] : memref<2x1000x128xf32, #tpu.memory_space<vmem>>, vector<1x1000x128xf32>
    %swap3A_34 = vector.shape_cast %swap3A_33 : vector<1x1000x128xf32> to vector<1000x128xf32>
    %swap3A_35 = vector.shape_cast %add3A : vector<1000x128xf32> to vector<1x1000x128xf32>
    tpu.vector_store %arg9[%swap3A, %swap3A_31, %swap3A_32], %swap3A_35 {strides = array<i32>} : memref<2x1000x128xf32, #tpu.memory_space<vmem>>, vector<1x1000x128xf32>,
    %get3A_36 = arith.constant 0 : index
    %get3A_37 = arith.constant 0 : index
    %get3A_38 = vector.load %arg4[%get3A_36, %get3A_37] : memref<128x128xf32, #tpu.memory_space<vmem>>, vector<128x128xf32>
    %dot_general3A_39 = arith.constant dense<0.000000e+00> : vector<1000x128xf32>
    %dot_general3A_40 = tpu.matmul %get3A_23, %get3A_38, %dot_general3A_39 {dimension_numbers = #tpu.dot_dimension_numbers<[1], [0], [0], [1], [0, 0, 1, 1], [], []>, transpose_lhs_hint = false} : vector<1000x128xf32>, vector<128x128xf32>, vector<1000x128xf32> -> vector<1000x128xf32>
    %dot_general3A_41 = arith.constant dense<0.000000e+00> : vector<1000x128xf32>
    %dot_general3A_42 = tpu.matmul %convert_element_type3A_5, %dot_general3A_20, %dot_general3A_41 {dimension_numbers = #tpu.dot_dimension_numbers<[1], [0], [0], [1], [0, 0, 1, 1], [], []>, transpose_lhs_hint = false} : vector<1000x8xf32>, vector<8x128xf32>, vector<1000x128xf32> -> vector<1000x128xf32>
    %add3A_43 = arith.addf %dot_general3A_40, %dot_general3A_42 : vector<1000x128xf32>
    %get3A_44 = arith.constant 0 : index
    %get3A_45 = arith.constant 0 : index
    %get3A_46 = vector.load %arg8[%get3A_44, %get3A_45] : memref<1x128xf32, #tpu.memory_space<vmem>>, vector<1x128xf32>
    %add3A_47 = vector.broadcast %get3A_46 : vector<1x128xf32> to vector<1000x128xf32>
    %add3A_48 = arith.addf %add3A_43, %add3A_47 : vector<1000x128xf32>
    %swap3A_49 = arith.constant 1 : index
    %swap3A_50 = arith.constant 0 : index
    %swap3A_51 = arith.constant 0 : index
    %swap3A_52 = vector.load %arg9[%swap3A_49, %swap3A_50, %swap3A_51] : memref<2x1000x128xf32, #tpu.memory_space<vmem>>, vector<1x1000x128xf32>
    %swap3A_53 = vector.shape_cast %swap3A_52 : vector<1x1000x128xf32> to vector<1000x128xf32>
    %swap3A_54 = vector.shape_cast %add3A_48 : vector<1000x128xf32> to vector<1x1000x128xf32>
    tpu.vector_store %arg9[%swap3A_49, %swap3A_50, %swap3A_51], %swap3A_54 {strides = array<i32>} : memref<2x1000x128xf32, #tpu.memory_space<vmem>>, vector<1x1000x128xf32>,
    return
  }
  func.func @transform_0(%arg0: i32) -> (i32, i32) {
    %c0_i32 = arith.constant 0 : i32
    %c0_i32_0 = arith.constant 0 : i32
    return %arg0, %c0_i32 : i32, i32
  }
  func.func @transform_1(%arg0: i32) -> (i32, i32) {
    %c0_i32 = arith.constant 0 : i32
    %c0_i32_0 = arith.constant 0 : i32
    return %arg0, %c0_i32 : i32, i32
  }
  func.func @transform_2(%arg0: i32) -> (i32, i32) {
    %c0_i32 = arith.constant 0 : i32
    %c0_i32_0 = arith.constant 0 : i32
    %c0_i32_1 = arith.constant 0 : i32
    return %c0_i32, %c0_i32_0 : i32, i32
  }
  func.func @transform_3(%arg0: i32) -> (i32, i32) {
    %c0_i32 = arith.constant 0 : i32
    %c0_i32_0 = arith.constant 0 : i32
    %c0_i32_1 = arith.constant 0 : i32
    return %c0_i32, %c0_i32_0 : i32, i32
  }
  func.func @transform_4(%arg0: i32) -> (i32, i32) {
    %c0_i32 = arith.constant 0 : i32
    %c0_i32_0 = arith.constant 0 : i32
    %c0_i32_1 = arith.constant 0 : i32
    return %c0_i32, %c0_i32_0 : i32, i32
  }
  func.func @transform_5(%arg0: i32) -> (i32, i32) {
    %c0_i32 = arith.constant 0 : i32
    %c0_i32_0 = arith.constant 0 : i32
    %c0_i32_1 = arith.constant 0 : i32
    return %c0_i32, %c0_i32_0 : i32, i32
  }
  func.func @transform_6(%arg0: i32) -> (i32, i32) {
    %c0_i32 = arith.constant 0 : i32
    %c0_i32_0 = arith.constant 0 : i32
    %c0_i32_1 = arith.constant 0 : i32
    return %c0_i32, %c0_i32_0 : i32, i32
  }
  func.func @transform_7(%arg0: i32) -> (i32, i32) {
    %c0_i32 = arith.constant 0 : i32
    %c0_i32_0 = arith.constant 0 : i32
    %c0_i32_1 = arith.constant 0 : i32
    return %c0_i32, %c0_i32_0 : i32, i32
  }
  func.func @transform_8(%arg0: i32) -> (i32, i32, i32) {
    %c0_i32 = arith.constant 0 : i32
    %c0_i32_0 = arith.constant 0 : i32
    %c0_i32_1 = arith.constant 0 : i32
    return %c0_i32, %arg0, %c0_i32_0 : i32, i32, i32
  }
}

module attributes {stable_mosaic.version = 14 : i64} {
  func.func @_s3a_body(%arg0: i32, %arg1: memref<1000x128xf32, #tpu.memory_space<vmem>>, %arg2: memref<1000x1xf32, #tpu.memory_space<vmem>>, %arg3: memref<128x128xf32, #tpu.memory_space<vmem>>, %arg4: memref<8x16xf32, #tpu.memory_space<vmem>>, %arg5: memref<16x128xf32, #tpu.memory_space<vmem>>, %arg6: memref<1x128xf32, #tpu.memory_space<vmem>>, %arg7: memref<1000x128xf32, #tpu.memory_space<vmem>>) attributes {dimension_semantics = [#tpu.dimension_semantics<arbitrary>], iteration_bounds = array<i64: 10>, scalar_prefetch = 0 : i64, scratch_operands = 0 : i64, tpu.core_type = #tpu.core_type<tc>, window_params = [{transform_indices = @transform_0, window_bounds = array<i64: 1000, 128>}, {transform_indices = @transform_1, window_bounds = array<i64: 1000, 1>}, {pipeline_mode = #tpu.pipeline_mode<synchronous>, transform_indices = @transform_2, window_bounds = array<i64: 128, 128>}, {pipeline_mode = #tpu.pipeline_mode<synchronous>, transform_indices = @transform_3, window_bounds = array<i64: 8, 16>}, {pipeline_mode = #tpu.pipeline_mode<synchronous>, transform_indices = @transform_4, window_bounds = array<i64: 16, 128>}, {pipeline_mode = #tpu.pipeline_mode<synchronous>, transform_indices = @transform_5, window_bounds = array<i64: 1, 128>}, {transform_indices = @transform_6, window_bounds = array<i64: 1000, 128>}]} {
    %get3A = arith.constant 0 : index
    %get3A_0 = arith.constant 0 : index
    %get3A_1 = vector.load %arg2[%get3A, %get3A_0] : memref<1000x1xf32, #tpu.memory_space<vmem>>, vector<1000x1xf32>
    %iota3A = tpu.iota {dimensions = array<i32: 1>} : vector<1x8xi32>
    %convert_element_type3A = arith.sitofp %iota3A : vector<1x8xi32> to vector<1x8xf32>
    %eq3A = vector.broadcast %get3A_1 : vector<1000x1xf32> to vector<1000x8xf32>
    %eq3A_2 = vector.broadcast %convert_element_type3A : vector<1x8xf32> to vector<1000x8xf32>
    %eq3A_3 = arith.cmpf oeq, %eq3A, %eq3A_2 : vector<1000x8xf32>
    %convert_element_type3A_4 = arith.extui %eq3A_3 : vector<1000x8xi1> to vector<1000x8xi32>
    %convert_element_type3A_5 = arith.sitofp %convert_element_type3A_4 : vector<1000x8xi32> to vector<1000x8xf32>
    %get3A_6 = arith.constant 0 : index
    %get3A_7 = arith.constant 0 : index
    %get3A_8 = vector.load %arg4[%get3A_6, %get3A_7] : memref<8x16xf32, #tpu.memory_space<vmem>>, vector<8x16xf32>
    %get3A_9 = arith.constant 0 : index
    %get3A_10 = arith.constant 0 : index
    %get3A_11 = vector.load %arg5[%get3A_9, %get3A_10] : memref<16x128xf32, #tpu.memory_space<vmem>>, vector<16x128xf32>
    %dot_general3A = arith.constant dense<0.000000e+00> : vector<8x128xf32>
    %dot_general3A_12 = tpu.matmul %get3A_8, %get3A_11, %dot_general3A {dimension_numbers = #tpu.dot_dimension_numbers<[1], [0], [0], [1], [0, 0, 1, 1], [], []>, transpose_lhs_hint = false} : vector<8x16xf32>, vector<16x128xf32>, vector<8x128xf32> -> vector<8x128xf32>
    %get3A_13 = arith.constant 0 : index
    %get3A_14 = arith.constant 0 : index
    %get3A_15 = vector.load %arg1[%get3A_13, %get3A_14] : memref<1000x128xf32, #tpu.memory_space<vmem>>, vector<1000x128xf32>
    %get3A_16 = arith.constant 0 : index
    %get3A_17 = arith.constant 0 : index
    %get3A_18 = vector.load %arg3[%get3A_16, %get3A_17] : memref<128x128xf32, #tpu.memory_space<vmem>>, vector<128x128xf32>
    %dot_general3A_19 = arith.constant dense<0.000000e+00> : vector<1000x128xf32>
    %dot_general3A_20 = tpu.matmul %get3A_15, %get3A_18, %dot_general3A_19 {dimension_numbers = #tpu.dot_dimension_numbers<[1], [0], [0], [1], [0, 0, 1, 1], [], []>, transpose_lhs_hint = false} : vector<1000x128xf32>, vector<128x128xf32>, vector<1000x128xf32> -> vector<1000x128xf32>
    %dot_general3A_21 = arith.constant dense<0.000000e+00> : vector<1000x128xf32>
    %dot_general3A_22 = tpu.matmul %convert_element_type3A_5, %dot_general3A_12, %dot_general3A_21 {dimension_numbers = #tpu.dot_dimension_numbers<[1], [0], [0], [1], [0, 0, 1, 1], [], []>, transpose_lhs_hint = false} : vector<1000x8xf32>, vector<8x128xf32>, vector<1000x128xf32> -> vector<1000x128xf32>
    %add3A = arith.addf %dot_general3A_20, %dot_general3A_22 : vector<1000x128xf32>
    %get3A_23 = arith.constant 0 : index
    %get3A_24 = arith.constant 0 : index
    %get3A_25 = vector.load %arg6[%get3A_23, %get3A_24] : memref<1x128xf32, #tpu.memory_space<vmem>>, vector<1x128xf32>
    %add3A_26 = vector.broadcast %get3A_25 : vector<1x128xf32> to vector<1000x128xf32>
    %add3A_27 = arith.addf %add3A, %add3A_26 : vector<1000x128xf32>
    %swap3A = arith.constant 0 : index
    %swap3A_28 = arith.constant 0 : index
    %swap3A_29 = vector.load %arg7[%swap3A, %swap3A_28] : memref<1000x128xf32, #tpu.memory_space<vmem>>, vector<1000x128xf32>
    tpu.vector_store %arg7[%swap3A, %swap3A_28], %add3A_27 {strides = array<i32>} : memref<1000x128xf32, #tpu.memory_space<vmem>>, vector<1000x128xf32>,
    return
  }
  func.func @transform_0(%arg0: i32) -> (i32, i32) {
    %c0_i32 = arith.constant 0 : i32
    %c0_i32_0 = arith.constant 0 : i32
    return %arg0, %c0_i32 : i32, i32
  }
  func.func @transform_1(%arg0: i32) -> (i32, i32) {
    %c0_i32 = arith.constant 0 : i32
    %c0_i32_0 = arith.constant 0 : i32
    return %arg0, %c0_i32 : i32, i32
  }
  func.func @transform_2(%arg0: i32) -> (i32, i32) {
    %c0_i32 = arith.constant 0 : i32
    %c0_i32_0 = arith.constant 0 : i32
    %c0_i32_1 = arith.constant 0 : i32
    return %c0_i32, %c0_i32_0 : i32, i32
  }
  func.func @transform_3(%arg0: i32) -> (i32, i32) {
    %c0_i32 = arith.constant 0 : i32
    %c0_i32_0 = arith.constant 0 : i32
    %c0_i32_1 = arith.constant 0 : i32
    return %c0_i32, %c0_i32_0 : i32, i32
  }
  func.func @transform_4(%arg0: i32) -> (i32, i32) {
    %c0_i32 = arith.constant 0 : i32
    %c0_i32_0 = arith.constant 0 : i32
    %c0_i32_1 = arith.constant 0 : i32
    return %c0_i32, %c0_i32_0 : i32, i32
  }
  func.func @transform_5(%arg0: i32) -> (i32, i32) {
    %c0_i32 = arith.constant 0 : i32
    %c0_i32_0 = arith.constant 0 : i32
    %c0_i32_1 = arith.constant 0 : i32
    return %c0_i32, %c0_i32_0 : i32, i32
  }
  func.func @transform_6(%arg0: i32) -> (i32, i32) {
    %c0_i32 = arith.constant 0 : i32
    %c0_i32_0 = arith.constant 0 : i32
    return %arg0, %c0_i32 : i32, i32
  }
}

module attributes {stable_mosaic.version = 14 : i64} {
  func.func @_s3b_body(%arg0: i32, %arg1: memref<1000x128xf32, #tpu.memory_space<vmem>>, %arg2: memref<2x1000x128xf32, #tpu.memory_space<vmem>>, %arg3: memref<128x128xf32, #tpu.memory_space<vmem>>, %arg4: memref<128x128xf32, #tpu.memory_space<vmem>>, %arg5: memref<1000x128xf32, #tpu.memory_space<vmem>>) attributes {dimension_semantics = [#tpu.dimension_semantics<arbitrary>], iteration_bounds = array<i64: 10>, scalar_prefetch = 0 : i64, scratch_operands = 0 : i64, tpu.core_type = #tpu.core_type<tc>, window_params = [{transform_indices = @transform_0, window_bounds = array<i64: 1000, 128>}, {transform_indices = @transform_1, window_bounds = array<i64: 2, 1000, 128>}, {pipeline_mode = #tpu.pipeline_mode<synchronous>, transform_indices = @transform_2, window_bounds = array<i64: 128, 128>}, {pipeline_mode = #tpu.pipeline_mode<synchronous>, transform_indices = @transform_3, window_bounds = array<i64: 128, 128>}, {transform_indices = @transform_4, window_bounds = array<i64: 1000, 128>}]} {
    %get3A = arith.constant 0 : index
    %get3A_0 = arith.constant 0 : index
    %get3A_1 = arith.constant 0 : index
    %get3A_2 = vector.load %arg2[%get3A, %get3A_0, %get3A_1] : memref<2x1000x128xf32, #tpu.memory_space<vmem>>, vector<1x1000x128xf32>
    %get3A_3 = vector.shape_cast %get3A_2 : vector<1x1000x128xf32> to vector<1000x128xf32>
    %get3A_4 = arith.constant 1 : index
    %get3A_5 = arith.constant 0 : index
    %get3A_6 = arith.constant 0 : index
    %get3A_7 = vector.load %arg2[%get3A_4, %get3A_5, %get3A_6] : memref<2x1000x128xf32, #tpu.memory_space<vmem>>, vector<1x1000x128xf32>
    %get3A_8 = vector.shape_cast %get3A_7 : vector<1x1000x128xf32> to vector<1000x128xf32>
    %add3A = arith.addf %get3A_3, %get3A_8 : vector<1000x128xf32>
    %get3A_9 = arith.constant 0 : index
    %get3A_10 = arith.constant 0 : index
    %get3A_11 = vector.load %arg1[%get3A_9, %get3A_10] : memref<1000x128xf32, #tpu.memory_space<vmem>>, vector<1000x128xf32>
    %get3A_12 = arith.constant 0 : index
    %get3A_13 = arith.constant 0 : index
    %get3A_14 = vector.load %arg3[%get3A_12, %get3A_13] : memref<128x128xf32, #tpu.memory_space<vmem>>, vector<128x128xf32>
    %dot_general3A = arith.constant dense<0.000000e+00> : vector<1000x128xf32>
    %dot_general3A_15 = tpu.matmul %add3A, %get3A_14, %dot_general3A {dimension_numbers = #tpu.dot_dimension_numbers<[1], [0], [0], [1], [0, 0, 1, 1], [], []>, transpose_lhs_hint = false} : vector<1000x128xf32>, vector<128x128xf32>, vector<1000x128xf32> -> vector<1000x128xf32>
    %add3A_16 = arith.addf %get3A_11, %dot_general3A_15 : vector<1000x128xf32>
    %max3A = arith.constant 0.000000e+00 : f32
    %max3A_17 = vector.broadcast %max3A : f32 to vector<1000x128xf32>
    %max3A_18 = arith.maximumf %add3A_16, %max3A_17 : vector<1000x128xf32>
    %get3A_19 = arith.constant 0 : index
    %get3A_20 = arith.constant 0 : index
    %get3A_21 = vector.load %arg4[%get3A_19, %get3A_20] : memref<128x128xf32, #tpu.memory_space<vmem>>, vector<128x128xf32>
    %dot_general3A_22 = arith.constant dense<0.000000e+00> : vector<1000x128xf32>
    %dot_general3A_23 = tpu.matmul %max3A_18, %get3A_21, %dot_general3A_22 {dimension_numbers = #tpu.dot_dimension_numbers<[1], [0], [0], [1], [0, 0, 1, 1], [], []>, transpose_lhs_hint = false} : vector<1000x128xf32>, vector<128x128xf32>, vector<1000x128xf32> -> vector<1000x128xf32>
    %swap3A = arith.constant 0 : index
    %swap3A_24 = arith.constant 0 : index
    %swap3A_25 = vector.load %arg5[%swap3A, %swap3A_24] : memref<1000x128xf32, #tpu.memory_space<vmem>>, vector<1000x128xf32>
    tpu.vector_store %arg5[%swap3A, %swap3A_24], %dot_general3A_23 {strides = array<i32>} : memref<1000x128xf32, #tpu.memory_space<vmem>>, vector<1000x128xf32>,
    return
  }
  func.func @transform_0(%arg0: i32) -> (i32, i32) {
    %c0_i32 = arith.constant 0 : i32
    %c0_i32_0 = arith.constant 0 : i32
    return %arg0, %c0_i32 : i32, i32
  }
  func.func @transform_1(%arg0: i32) -> (i32, i32, i32) {
    %c0_i32 = arith.constant 0 : i32
    %c0_i32_0 = arith.constant 0 : i32
    %c0_i32_1 = arith.constant 0 : i32
    return %c0_i32, %arg0, %c0_i32_0 : i32, i32, i32
  }
  func.func @transform_2(%arg0: i32) -> (i32, i32) {
    %c0_i32 = arith.constant 0 : i32
    %c0_i32_0 = arith.constant 0 : i32
    %c0_i32_1 = arith.constant 0 : i32
    return %c0_i32, %c0_i32_0 : i32, i32
  }
  func.func @transform_3(%arg0: i32) -> (i32, i32) {
    %c0_i32 = arith.constant 0 : i32
    %c0_i32_0 = arith.constant 0 : i32
    %c0_i32_1 = arith.constant 0 : i32
    return %c0_i32, %c0_i32_0 : i32, i32
  }
  func.func @transform_4(%arg0: i32) -> (i32, i32) {
    %c0_i32 = arith.constant 0 : i32
    %c0_i32_0 = arith.constant 0 : i32
    return %arg0, %c0_i32 : i32, i32
  }
}

</mosaic_0001>

<sc_bundles>
// kernel: kernel.6.cloned.1.call-start
scs
__scs_entry_jumppad:
0x0: {  	(pc) =	sbr.rel $0x88, $3  }
0x1: {  	(tag) =	ssettag $0x0;
	lr =	simm.s32 $0x1  }
0x2: {  	[smem:$0x3F98] =	sst lr;
	_ =	strace $0xD0000000  }
0x3: {  	_ = 	snop  }
0x4: {  	_ = 	snop  }
0x5: {  	_ = 	snop  }
0x6: {  	_ = 	snop  }
0x7: {  	_ = 	snop  }
__scs_overlays_trampoline_lowered:
0x8: {  	[smem:$0x3FA7] =	sst s0  }
0x9: {  	[smem:$0x3FA8] =	sst s1  }
0xa: {  	[smem:$0x3FA9] =	sst s2  }
0xb: {  	[smem:$0x3FAA] =	sst s3  }
0xc: {  	[smem:$0x3FAB] =	sst s4  }
0xd: {  	[smem:$0x3FAC] =	sst s5  }
0xe: {  	[smem:$0x3FAD] =	sst s6  }
0xf: {  	[smem:$0x3FAE] =	sst s7  }
0x10: {  	[smem:$0x3FAF] =	sst s8  }
0x11: {  	[smem:$0x3FB0] =	sst s9;
	s0 =	simm.s32 @!p0 $0x0  }
0x12: {  	s1 =	sld [smem:$0x3F96];
	s0 =	simm.s32 @p0 $0x1  }
0x13: {  	[smem:$0x3FB1] =	sst s0;
	s0 =	simm.s32 @!p1 $0x0  }
0x14: {  	s2 =	sld [smem:$0x3F95];
	s0 =	simm.s32 @p1 $0x1  }
0x15: {  	[smem:$0x3FB2] =	sst s0;
	s0 =	simm.s32 @!p2 $0x0  }
0x16: {  	s3 =	sld [smem:$0x3FDB];
	s0 =	simm.s32 @p2 $0x1  }
0x17: {  	s4 =	simm.s32 $0x1BF5;
	[smem:$0x3FB4] =	sst s0  }
0x18: {  	s0 =	sld [smem:$0x3F97];
	_ =	swait.ge [sflag:s4], $0x0  }
0x19: {  	s7 =	sld [smem:$0x3F98]  }
0x1a: {  	s8 =	sadd.s32 $0xFFFFE003, lr  }
0x1b: {  	s9 =	sadd.s32 $0xFFFFFEF7, lr;
	s5 =	simm.s32 $0xFFFFFFFF;
	p2 =	slt.u32 s8, $0xFFFFF086  }
0x1c: {  	p1 =	slt.u32 s9, $0xF7A;
	s5 =	simm.s32 @!p2 $0x0  }
0x1d: {  	s5 =	simm.s32 @p1 $0x1;
	p0 =	seq.s32 s7, s2  }
0x1e: {  	s7 =	smul.u32 @!p0 $0xF7A, s2;
	p2 =	seq.s32 @!p0 s5, $0x0  }
0x1f: {  	s9 =	smul.u32 $0xF7A, s1;
	s8 =	simm.s32 @!p0 $0x1BF5;
	p2 =	por !p2, p0  }
0x20: {  	[sflag:s8] =	ssyncset.s32 @!p0 $0xFFFFF086;
	s6 =	sadd.s32 @!p0 s3, s7;
	s7 =	simm.s32 @!p0 $0x108  }
0x21: {  	s3 =	sadd.s32 s3, s9;
	s6 =	sadd.s32 @!p0 $0x88, s6;
	s7 =	simm.s32 @p2 $0x1082  }
0x22: {  	[simem:s7], [sflag:s8] =	dma.local @!p0 [hbm:s6], $0xF7A  }
0x23: {  	s9 =	sor.u32 $0xD0000000, s2;
	s6 =	simm.s32 $0x108;
	_ =	swait.ge @!p0 [sflag:s8], $0x0  }
0x24: {  	s3 =	sadd.s32 $0x88, s3;
	s6 =	simm.s32 @!p1 $0x1082;
	[sflag:s4] =	ssyncset.s32 $0xFFFFF086  }
0x25: {  	[simem:s6], [sflag:s4] =	dma.local [hbm:s3], $0xF7A  }
0x26: {  	[smem:$0x3F98] =	sst s1;
	(tag) =	ssettag s2;
	_ =	strace s9  }
0x27: {  	s1 =	sld [smem:$0x3FA8]  }
0x28: {  	s2 =	sld [smem:$0x3FA9]  }
0x29: {  	s4 =	sld [smem:$0x3FAB]  }
0x2a: {  	p0 =	seq.s32 s5, $0x0;
	s5 =	sld [smem:$0x3FAC]  }
0x2b: {  	s6 =	sld [smem:$0x3FAD]  }
0x2c: {  	s7 =	sld [smem:$0x3FAE]  }
0x2d: {  	s3 =	simm.s32 $0x108;
	s8 =	sld [smem:$0x3FAF]  }
0x2e: {  	s3 =	simm.s32 @!p0 $0x1082;
	s9 =	sld [smem:$0x3FB0]  }
0x2f: {  	lr =	sadd.s32 s0, s3;
	s0 =	sld [smem:$0x3FA7]  }
0x30: {  	s3 =	sld [smem:$0x3FAA]  }
0x31: {  	[smem:$0x3FB3] =	sst s10  }
0x32: {  	s10 =	sld [smem:$0x3FB1];
	_ =	sdelay $0x3  }
0x33: {  	p0 =	seq.s32 s10, $0x1;
	s10 =	sld [smem:$0x3FB3];
	_ =	sdelay $0x3  }
0x34: {  	[smem:$0x3FB3] =	sst s10  }
0x35: {  	s10 =	sld [smem:$0x3FB2];
	_ =	sdelay $0x3  }
0x36: {  	p1 =	seq.s32 s10, $0x1;
	s10 =	sld [smem:$0x3FB3];
	_ =	sdelay $0x3  }
0x37: {  	[smem:$0x3FB3] =	sst s10  }
0x38: {  	s10 =	sld [smem:$0x3FB4]  }
0x39: {  	_ = 	snop;
	(pc) =	sbr.ind lr, $3  }
0x3a: {  	_ = 	snop  }
0x3b: {  	_ = 	snop  }
0x3c: {  	p2 =	seq.s32 s10, $0x1;
	s10 =	sld [smem:$0x3FB3]  }
0x3d: {  	_ =	shalt  }
0x3e: {  	_ =	shalt  }
0x3f: {  	_ =	shalt  }
0x40: {  	_ =	shalt  }
0x41: {  	_ =	shalt  }
0x42: {  	_ =	shalt  }
0x43: {  	_ =	shalt  }
0x44: {  	_ =	shalt  }
0x45: {  	_ =	shalt  }
0x46: {  	_ =	shalt  }
0x47: {  	_ =	shalt  }
0x48: {  	_ =	shalt  }
0x49: {  	_ =	shalt  }
0x4a: {  	_ =	shalt  }
0x4b: {  	_ =	shalt  }
0x4c: {  	_ =	shalt  }
0x4d: {  	_ =	shalt  }
0x4e: {  	_ =	shalt  }
0x4f: {  	_ =	shalt  }
0x50: {  	_ =	shalt  }
0x51: {  	_ =	shalt  }
0x52: {  	_ =	shalt  }
0x53: {  	_ =	shalt  }
0x54: {  	_ =	shalt  }
0x55: {  	_ =	shalt  }
0x56: {  	_ =	shalt  }
0x57: {  	_ =	shalt  }
0x58: {  	_ =	shalt  }
0x59: {  	_ =	shalt  }
0x5a: {  	_ =	shalt  }
0x5b: {  	_ =	shalt  }
0x5c: {  	_ =	shalt  }
0x5d: {  	_ =	shalt  }
0x5e: {  	_ =	shalt  }
0x5f: {  	_ =	shalt  }
0x60: {  	_ =	shalt  }
0x61: {  	_ =	shalt  }
0x62: {  	_ =	shalt  }
0x63: {  	_ =	shalt  }
0x64: {  	_ =	shalt  }
0x65: {  	_ =	shalt  }
0x66: {  	_ =	shalt  }
0x67: {  	_ =	shalt  }
0x68: {  	_ =	shalt  }
0x69: {  	_ =	shalt  }
0x6a: {  	_ =	shalt  }
0x6b: {  	_ =	shalt  }
0x6c: {  	_ =	shalt  }
0x6d: {  	_ =	shalt  }
0x6e: {  	_ =	shalt  }
0x6f: {  	_ =	shalt  }
0x70: {  	_ =	shalt  }
0x71: {  	_ =	shalt  }
0x72: {  	_ =	shalt  }
0x73: {  	_ =	shalt  }
0x74: {  	_ =	shalt  }
0x75: {  	_ =	shalt  }
0x76: {  	_ =	shalt  }
0x77: {  	_ =	shalt  }
0x78: {  	_ =	shalt  }
0x79: {  	_ =	shalt  }
0x7a: {  	_ =	shalt  }
0x7b: {  	_ =	shalt  }
0x7c: {  	_ =	shalt  }
0x7d: {  	_ =	shalt  }
0x7e: {  	_ =	shalt  }
0x7f: {  	_ =	shalt  }
0x80: {  	_ =	shalt  }
0x81: {  	_ =	shalt  }
0x82: {  	_ =	shalt  }
0x83: {  	_ =	shalt  }
0x84: {  	_ =	shalt  }
0x85: {  	_ =	shalt  }
0x86: {  	_ =	shalt  }
0x87: {  	_ =	shalt  }
.Lfunc_end0:
.L_simem_size_0:
called_computation_lowered:
.L_overlay_start_0:
0x88: {  	s2 =	sld [smem:$0x3FD9]  }
0x89: {  	s3 =	sld [smem:$0x3FFE];
	_ =	sdelay $0x1  }
0x8a: {  	s1 =	srdreg.scid  }
0x8b: {  	s0 =	sand.u32 $0x1, s1  }
0x8c: {  	s16 =	sshll.u32 s0, $0xA;
	s2 =	sadd.s32 s3, s2  }
0x8d: {  	s2 =	sadd.s32 s2, s16  }
0x8e: {  	[smem:$0x3FBF] =	sst s2  }
0x8f: {  	_ = 	snop  }
0x90: {  	(tm) =	ssettm $0x1  }
0x91: {  	s17 =	sld [smem:$0x3FFB];
	_ =	sdelay $0x3  }
0x92: {  	_ =	strace s17  }
0x93: {  	s2 =	sld [smem:$0x3FFC];
	_ =	sdelay $0x3  }
0x94: {  	_ =	strace s2  }
0x95: {  	s2 =	sld [smem:$0x3FFD];
	_ =	sdelay $0x3  }
0x96: {  	_ =	strace s2  }
0x97: {  	_ =	strace $0x8FFFFFFF  }
0x98: {  	s18 =	sld [smem:$0x3FDB];
	_ =	sdelay $0x1  }
0x99: {  	s19 =	simm.s32 $_scs_section_size  }
0x9a: {  	s4 =	simm.s32 $_size__tile_overlayer_lowered;
	s5 =	simm.s32 $_tile_overlayer_lowered  }
0x9b: {  	s22 =	simm.s32 $0x1BFF;
	s21 =	sshll.u32 s5, $0x1;
	s2 =	sadd.s32 s19, s18  }
0x9c: {  	s6 =	simm.s32 $0x0;
	s20 =	sshll.u32 s4, $0x1;
	s4 =	sadd.s32 s21, s2  }
0x9d: {  	[timem:s6], [sflag:s22] =	dma.local [hbm:s4], s20  }
0x9e: {  	_ =	swait.ge [sflag:s22], s20  }
0x9f: {  	s3 =	ssub.s32 $0x0, s20;
	[sflag:s22] =	ssyncset.done $0x0  }
0xa0: {  	[sflag:s22] =	ssyncadd.s32 s3;
	_ =	sdelay $0x1  }
0xa1: {  	s23 =	simm.s32 $0x1B8B  }
0xa2: {  	_ =	swait.ge [sflag:s23], $0x1  }
0xa3: {  	[sflag:s23] =	ssyncset.done $0x0  }
0xa4: {  	s25 =	simm.s32 $0x1B8E;
	s24 =	sld [smem:$0x3FFE];
	[sflag:s23] =	ssyncadd.s32 $0xFFFFFFFF  }
0xa5: {  	s26 =	simm.s32 $execute0_lowered;
	[smem:$0x3FD2] =	sst s25  }
0xa6: {  	s4 =	sshll.u32 s26, $0x1;
	_ =	strace $0x80000046;
	[dreg:$0x1] =	wrdreg $0xFFFFFFFF  }
0xa7: {  	s28 =	simm.s32 $_size_execute0_lowered;
	s2 =	sadd.s32 s2, s4;
	[dreg:$0x0] =	wrdreg $0x0  }
0xa8: {  	s4 =	sshll.u32 s28, $0x1;
	[dreg:$0x2] =	wrdreg s2  }
0xa9: {  	[dreg:$0x3] =	wrdreg s4  }
0xaa: {  	[dreg:$0x4] =	wrdreg $0xC0  }
0xab: {  	_ =	task [dreg:s6], $0x5FFFF  }
0xac: {  	[dreg:$0x1] =	wrdreg $0xFFFFFFFF  }
0xad: {  	[dreg:$0x0] =	wrdreg $0x60  }
0xae: {  	[dreg:$0x2] =	wrdreg s24  }
0xaf: {  	[dreg:$0x3] =	wrdreg $0xB4000  }
0xb0: {  	[dreg:$0x4] =	wrdreg $0x9  }
0xb1: {  	_ =	task.clear_ibuf [dreg:s6], $0x5FFFF;
	_ =	strace $0x90000046  }
0xb2: {  	s29 =	simm.s32 $0x9;
	_ =	strace $0x80000048  }
0xb3: {  	_ =	swait.ge [sflag:s29], $0x1  }
0xb4: {  	[sflag:s29] =	ssyncadd.s32 $0xFFFFFFFF  }
0xb5: {  	_ =	strace $0x90000048  }
0xb6: {  	_ =	sfence  }
0xb7: {  	s30 =	sld [smem:$0x0];
	_ =	sdelay $0x2  }
0xb8: {  	s31 =	sshll.u32 s1, $0xD;
	s1 =	sshrl.u32 s1, $0x2  }
0xb9: {  	s3 =	sand.u32 $0x4000, s31;
	s1 =	sadd.s32 s1, s30  }
0xba: {  	s0 =	sor.u32 s3, s0;
	s1 =	sshll.u32 s1, $0x11  }
0xbb: {  	s0 =	sor.u32 s1, s0  }
0xbc: {  	s0 =	sadd.s32 $0x8F2B, s0  }
0xbd: {  	[sflag:s0] =	ssyncadd.remote.s32 $0x1  }
0xbe: {  	_ =	sfence.sel $0xFFFF  }
0xbf: {  	[dreg:$0x0] =	wrdreg $0xFFFFFFFF;
	(pc) =	sbr.abs _section_cstart, $3  }
0xc0: {  	[dreg:$0x1] =	wrdreg $0xFFFFFFFF  }
0xc1: {  	_ =	task.clear_ibuf [dreg:s6], $0x2FFFF;
	_ =	strace $0x9FFFFFFF  }
0xc2: {  	(tm) =	ssettm $0x7FFFFFFF  }
0xc3: {  	_ =	shalt  }
tec
execute0_lowered:
.L_overlay_start_1:
0x0: {  	(tag) =	ssettag $0x1  }
0x1: {  	s0 =	rddreg [dreg:$0x0];
	s1 =	srdreg.scid  }
0x2: {  	s2 =	rddreg [dreg:$0x1];
	s9 =	stileid.u32;
	s3 =	simm.s32 $0x0  }
0x3: {  	s18 =	simm.s32 $0x1400;
	s19 =	simm.s32 $0xE;
	s28 =	simm.s32 $0x1  }
0x4: {  	s30 =	simm.s32 $0x9;
	s31 =	simm.s32 $0xA;
	s5 =	smul.u32 $0x13C00, s9  }
0x5: {  	s1 =	sand.u32 $0x1, s1;
	[smem:$0x7FF] =	sst s3;
	s7 =	smul.u32 $0x4F000, s9  }
0x6: {  	s9 =	sshll.u32 s9, $0x1;
	s4 =	smul.u32 $0x13C000, s1;
	s22 =	ssub.s32 $0x2, s1  }
0x7: {  	_ =	strace $0x80000047;
	s1 =	sor.u32 s1, s9;
	s8 =	sshrl.u32 s22, $0x1  }
0x8: {  	s7 =	sshrl.u32 s7, $0x2;
	s1 =	smul.u32 $0xFA00, s1;
	s5 =	sadd.s32 s5, s4  }
0x9: {  	s4 =	sadd.s32 $0x40000, s0;
	s8 =	ssub.s32 s22, s8;
	s22 =	simm.s32 $0xC  }
0xa: {  	s6 =	sshrl.u32 s5, $0x3;
	s5 =	sadd.s32 $0x1800, s0;
	s29 =	sshrl.u32 s1, $0x3  }
0xb: {  	s15 =	sadd.s32 $0xA00, s1;
	s0 =	sadd.s32 s6, s0;
	s6 =	sadd.s32 s7, s2  }
0xc: {  	s17 =	smax.u32 s8, $0x1;
	s14 =	sadd.s32 s5, s29;
	s7 =	sadd.s32 $0x2800, s6  }
0xd: {  	s23 =	sadd.s32 $0x5000, s6;
	s24 =	sadd.s32 $0x7800, s6;
	[dreg:$0x3] =	wrdreg s7  }
.Ltmp0:
0xe: {  	s25 =	sadd.s32 $0xA000, s6;
	[dreg:$0x4] =	wrdreg s23;
	(pc) =	sbr.rel .LBB2_1-.Ltmp0, $4  }
0xf: {  	s26 =	sadd.s32 $0xC800, s6;
	s12 =	sadd.s32 $0xF000, s6;
	[dreg:$0x5] =	wrdreg s24  }
0x10: {  	s13 =	sadd.s32 $0x11800, s6;
	s16 =	sadd.s32 $0x8E200, s0;
	[dreg:$0x6] =	wrdreg s25  }
0x11: {  	s20 =	sadd.s32 $0x40, s14;
	s0 =	simm.s32 $0xB;
	[dreg:$0x7] =	wrdreg s26  }
0x12: {  	v0 =	vimm.f32 $0.0e+00;
	s25 =	simm.s32 $0x50;
	s23 =	simm.s32 $0xD;
	s24 =	simm.s32 $0x0  }
.LBB2_17:
0x13: {  	_ =	swait.ge [sflag:s30], $0x2800  }
0x14: {  	[sflag:s30] =	ssyncset.done $0x0  }
0x15: {  	[sflag:s30] =	ssyncadd.s32 $0xFFFFD800  }
0x16: {  	_ =	swait.ge [sflag:s31], $0x2800  }
0x17: {  	[sflag:s31] =	ssyncset.done $0x0  }
0x18: {  	[sflag:s31] =	ssyncadd.s32 $0xFFFFD800  }
0x19: {  	_ =	swait.ge [sflag:s0], $0x2800  }
0x1a: {  	[sflag:s0] =	ssyncset.done $0x0  }
0x1b: {  	[sflag:s0] =	ssyncadd.s32 $0xFFFFD800  }
0x1c: {  	s1 =	stileid.u32;
	_ =	swait.ge [sflag:s22], $0x2800  }
0x1d: {  	s7 =	sshrl.u32 s6, $0x3;
	s24 =	sadd.s32 $0x1, s24;
	[sflag:s22] =	ssyncset.done $0x0  }
0x1e: {  	s1 =	sshll.u32 s1, $0x6;
	p0 =	sne.s32 s24, s17;
	[sflag:s22] =	ssyncadd.s32 $0xFFFFD800  }
.Ltmp1:
0x1f: {  	s1 =	sor.u32 $0x1C0E, s1;
	[bflag:$0x0] =	sbarrier.arrive $0xFFFF;
	(pc) =	sbr.rel @!p0 .LBB2_18-.Ltmp1, $4  }
0x20: {  	[hbm:s16], [sflag:s1] =	dma.local [spmem:s7], $0x2780  }
0x21: {  	_ =	swait.ge [sflag:s19], $0x2780  }
0x22: {  	[sflag:s19] =	ssyncset.done $0x0  }
0x23: {  	[sflag:s19] =	ssyncadd.s32 $0xFFFFD880  }
.LBB2_1:
0x24: {  	s1 =	simm.s32 $0x1600  }
0x25: {  	[tilespmem:s1+$0xFFFFFE00] =	vst v0  }
0x26: {  	[tilespmem:s1+$0x1F0] =	vst v0  }
0x27: {  	[tilespmem:s1+$0x1E0] =	vst v0  }
0x28: {  	[tilespmem:s1+$0x1D0] =	vst v0  }
0x29: {  	[tilespmem:s1+$0x1C0] =	vst v0  }
0x2a: {  	[tilespmem:s1+$0x1B0] =	vst v0  }
0x2b: {  	[tilespmem:s1+$0x1A0] =	vst v0  }
0x2c: {  	[tilespmem:s1+$0x190] =	vst v0  }
0x2d: {  	[tilespmem:s1+$0x180] =	vst v0  }
0x2e: {  	[tilespmem:s1+$0x170] =	vst v0  }
0x2f: {  	[tilespmem:s1+$0x160] =	vst v0  }
0x30: {  	[tilespmem:s1+$0x150] =	vst v0  }
0x31: {  	[tilespmem:s1+$0x140] =	vst v0  }
0x32: {  	[tilespmem:s1+$0x130] =	vst v0  }
0x33: {  	[tilespmem:s1+$0x120] =	vst v0  }
0x34: {  	[tilespmem:s1+$0x110] =	vst v0  }
0x35: {  	[tilespmem:s1+$0x100] =	vst v0  }
0x36: {  	[tilespmem:s1+$0xF0] =	vst v0  }
0x37: {  	[tilespmem:s1+$0xE0] =	vst v0  }
0x38: {  	[tilespmem:s1+$0xD0] =	vst v0  }
0x39: {  	[tilespmem:s1+$0xC0] =	vst v0  }
0x3a: {  	[tilespmem:s1+$0xB0] =	vst v0  }
0x3b: {  	[tilespmem:s1+$0xA0] =	vst v0  }
0x3c: {  	[tilespmem:s1+$0x90] =	vst v0  }
0x3d: {  	[tilespmem:s1+$0x80] =	vst v0  }
0x3e: {  	[tilespmem:s1+$0x70] =	vst v0  }
0x3f: {  	[tilespmem:s1+$0x60] =	vst v0  }
0x40: {  	[tilespmem:s1+$0x50] =	vst v0  }
0x41: {  	[tilespmem:s1+$0x40] =	vst v0  }
0x42: {  	[tilespmem:s1+$0x30] =	vst v0  }
0x43: {  	[tilespmem:s1+$0x20] =	vst v0  }
0x44: {  	[tilespmem:s1+$0x10] =	vst v0  }
0x45: {  	[tilespmem:s1+$0x0] =	vst v0  }
0x46: {  	[tilespmem:s1+$0xFFFFFFF0] =	vst v0  }
0x47: {  	[tilespmem:s1+$0xFFFFFFE0] =	vst v0  }
0x48: {  	[tilespmem:s1+$0xFFFFFFD0] =	vst v0  }
0x49: {  	[tilespmem:s1+$0xFFFFFFC0] =	vst v0  }
0x4a: {  	[tilespmem:s1+$0xFFFFFFB0] =	vst v0  }
0x4b: {  	[tilespmem:s1+$0xFFFFFFA0] =	vst v0  }
0x4c: {  	[tilespmem:s1+$0xFFFFFF90] =	vst v0  }
0x4d: {  	[tilespmem:s1+$0xFFFFFF80] =	vst v0  }
0x4e: {  	[tilespmem:s1+$0xFFFFFF70] =	vst v0  }
0x4f: {  	[tilespmem:s1+$0xFFFFFF60] =	vst v0  }
0x50: {  	[tilespmem:s1+$0xFFFFFF50] =	vst v0  }
0x51: {  	[tilespmem:s1+$0xFFFFFF40] =	vst v0  }
0x52: {  	[tilespmem:s1+$0xFFFFFF30] =	vst v0  }
0x53: {  	[tilespmem:s1+$0xFFFFFF20] =	vst v0  }
0x54: {  	[tilespmem:s1+$0xFFFFFF10] =	vst v0  }
0x55: {  	[tilespmem:s1+$0xFFFFFF00] =	vst v0  }
0x56: {  	[tilespmem:s1+$0xFFFFFEF0] =	vst v0  }
0x57: {  	[tilespmem:s1+$0xFFFFFEE0] =	vst v0  }
0x58: {  	[tilespmem:s1+$0xFFFFFED0] =	vst v0  }
0x59: {  	[tilespmem:s1+$0xFFFFFEC0] =	vst v0  }
0x5a: {  	[tilespmem:s1+$0xFFFFFEB0] =	vst v0  }
0x5b: {  	[tilespmem:s1+$0xFFFFFEA0] =	vst v0  }
0x5c: {  	[tilespmem:s1+$0xFFFFFE90] =	vst v0  }
0x5d: {  	[tilespmem:s1+$0xFFFFFE80] =	vst v0  }
0x5e: {  	[tilespmem:s1+$0xFFFFFE70] =	vst v0  }
0x5f: {  	[tilespmem:s1+$0xFFFFFE60] =	vst v0  }
0x60: {  	[tilespmem:s1+$0xFFFFFE50] =	vst v0  }
0x61: {  	[tilespmem:s1+$0xFFFFFE40] =	vst v0  }
0x62: {  	[tilespmem:s1+$0xFFFFFE30] =	vst v0  }
0x63: {  	s7 =	simm.s32 $0x0;
	[tilespmem:s1+$0xFFFFFE20] =	vst v0  }
.LBB2_2:
0x64: {  	s7 =	sadd.s32 $0x8, s7;
	[tilespmem:s1+$0xFFFFFE10] =	vst v0;
	s1 =	sadd.s32 $0x400, s1  }
0x65: {  	[tilespmem:s1+$0xFFFFFE00] =	vst v0;
	p0 =	slt.u32 s7, $0x48  }
0x66: {  	[tilespmem:s1+$0x1F0] =	vst v0  }
0x67: {  	[tilespmem:s1+$0x1E0] =	vst v0  }
0x68: {  	[tilespmem:s1+$0x1D0] =	vst v0  }
0x69: {  	[tilespmem:s1+$0x1C0] =	vst v0  }
0x6a: {  	[tilespmem:s1+$0x1B0] =	vst v0  }
0x6b: {  	[tilespmem:s1+$0x1A0] =	vst v0  }
0x6c: {  	[tilespmem:s1+$0x190] =	vst v0  }
0x6d: {  	[tilespmem:s1+$0x180] =	vst v0  }
0x6e: {  	[tilespmem:s1+$0x170] =	vst v0  }
0x6f: {  	[tilespmem:s1+$0x160] =	vst v0  }
0x70: {  	[tilespmem:s1+$0x150] =	vst v0  }
0x71: {  	[tilespmem:s1+$0x140] =	vst v0  }
0x72: {  	[tilespmem:s1+$0x130] =	vst v0  }
0x73: {  	[tilespmem:s1+$0x120] =	vst v0  }
0x74: {  	[tilespmem:s1+$0x110] =	vst v0  }
0x75: {  	[tilespmem:s1+$0x100] =	vst v0  }
0x76: {  	[tilespmem:s1+$0xF0] =	vst v0  }
0x77: {  	[tilespmem:s1+$0xE0] =	vst v0  }
0x78: {  	[tilespmem:s1+$0xD0] =	vst v0  }
0x79: {  	[tilespmem:s1+$0xC0] =	vst v0  }
0x7a: {  	[tilespmem:s1+$0xB0] =	vst v0  }
0x7b: {  	[tilespmem:s1+$0xA0] =	vst v0  }
0x7c: {  	[tilespmem:s1+$0x90] =	vst v0  }
0x7d: {  	[tilespmem:s1+$0x80] =	vst v0  }
0x7e: {  	[tilespmem:s1+$0x70] =	vst v0  }
0x7f: {  	[tilespmem:s1+$0x60] =	vst v0  }
0x80: {  	[tilespmem:s1+$0x50] =	vst v0  }
0x81: {  	[tilespmem:s1+$0x40] =	vst v0  }
0x82: {  	[tilespmem:s1+$0x30] =	vst v0  }
0x83: {  	[tilespmem:s1+$0x20] =	vst v0  }
0x84: {  	[tilespmem:s1+$0x10] =	vst v0  }
0x85: {  	[tilespmem:s1+$0x0] =	vst v0  }
0x86: {  	[tilespmem:s1+$0xFFFFFFF0] =	vst v0  }
0x87: {  	[tilespmem:s1+$0xFFFFFFE0] =	vst v0  }
0x88: {  	[tilespmem:s1+$0xFFFFFFD0] =	vst v0  }
0x89: {  	[tilespmem:s1+$0xFFFFFFC0] =	vst v0  }
0x8a: {  	[tilespmem:s1+$0xFFFFFFB0] =	vst v0  }
0x8b: {  	[tilespmem:s1+$0xFFFFFFA0] =	vst v0  }
0x8c: {  	[tilespmem:s1+$0xFFFFFF90] =	vst v0  }
0x8d: {  	[tilespmem:s1+$0xFFFFFF80] =	vst v0  }
0x8e: {  	[tilespmem:s1+$0xFFFFFF70] =	vst v0  }
0x8f: {  	[tilespmem:s1+$0xFFFFFF60] =	vst v0  }
0x90: {  	[tilespmem:s1+$0xFFFFFF50] =	vst v0  }
0x91: {  	[tilespmem:s1+$0xFFFFFF40] =	vst v0  }
0x92: {  	[tilespmem:s1+$0xFFFFFF30] =	vst v0  }
0x93: {  	[tilespmem:s1+$0xFFFFFF20] =	vst v0  }
0x94: {  	[tilespmem:s1+$0xFFFFFF10] =	vst v0  }
0x95: {  	[tilespmem:s1+$0xFFFFFF00] =	vst v0  }
0x96: {  	[tilespmem:s1+$0xFFFFFEF0] =	vst v0  }
0x97: {  	[tilespmem:s1+$0xFFFFFEE0] =	vst v0  }
0x98: {  	[tilespmem:s1+$0xFFFFFED0] =	vst v0  }
0x99: {  	[tilespmem:s1+$0xFFFFFEC0] =	vst v0  }
0x9a: {  	[tilespmem:s1+$0xFFFFFEB0] =	vst v0  }
0x9b: {  	[tilespmem:s1+$0xFFFFFEA0] =	vst v0  }
0x9c: {  	[tilespmem:s1+$0xFFFFFE90] =	vst v0  }
0x9d: {  	[tilespmem:s1+$0xFFFFFE80] =	vst v0  }
0x9e: {  	[tilespmem:s1+$0xFFFFFE70] =	vst v0  }
.Ltmp2:
0x9f: {  	[tilespmem:s1+$0xFFFFFE60] =	vst v0;
	(pc) =	sbr.rel @p0 .LBB2_2-.Ltmp2, $4  }
0xa0: {  	[tilespmem:s1+$0xFFFFFE50] =	vst v0  }
0xa1: {  	[tilespmem:s1+$0xFFFFFE40] =	vst v0  }
0xa2: {  	[tilespmem:s1+$0xFFFFFE30] =	vst v0  }
0xa3: {  	[tilespmem:s1+$0xFFFFFE20] =	vst v0  }
0xa4: {  	[tilespmem:s1+$0xFFFFFE10] =	vst v0  }
0xa5: {  	[spmem:s6] =	stream.linear.scatter [tilespmem:s18], [sflag:$0xE], $0x2800, $0x38;
	[tilespmem:$0x1F000] =	vst v63  }
0xa6: {  	_ =	swait.ge [sflag:s19], $0x2800  }
0xa7: {  	[sflag:s19] =	ssyncset.done $0x0  }
0xa8: {  	s21 =	rddreg [dreg:$0x3];
	[sflag:s19] =	ssyncadd.s32 $0xFFFFD800  }
0xa9: {  	[spmem:s21] =	stream.linear.scatter [tilespmem:s18], [sflag:$0xE], $0x2800, $0x38;
	[tilespmem:$0x1F000] =	vst v63  }
0xaa: {  	_ =	swait.ge [sflag:s19], $0x2800  }
0xab: {  	[sflag:s19] =	ssyncset.done $0x0  }
0xac: {  	s26 =	rddreg [dreg:$0x4];
	[sflag:s19] =	ssyncadd.s32 $0xFFFFD800  }
0xad: {  	[spmem:s26] =	stream.linear.scatter [tilespmem:s18], [sflag:$0xE], $0x2800, $0x38;
	[tilespmem:$0x1F000] =	vst v63  }
0xae: {  	_ =	swait.ge [sflag:s19], $0x2800  }
0xaf: {  	[sflag:s19] =	ssyncset.done $0x0  }
0xb0: {  	s29 =	rddreg [dreg:$0x5];
	[sflag:s19] =	ssyncadd.s32 $0xFFFFD800  }
0xb1: {  	[spmem:s29] =	stream.linear.scatter [tilespmem:s18], [sflag:$0xE], $0x2800, $0x38;
	[tilespmem:$0x1F000] =	vst v63  }
0xb2: {  	_ =	swait.ge [sflag:s19], $0x2800  }
0xb3: {  	[sflag:s19] =	ssyncset.done $0x0  }
0xb4: {  	s7 =	rddreg [dreg:$0x6];
	[sflag:s19] =	ssyncadd.s32 $0xFFFFD800  }
0xb5: {  	[spmem:s7] =	stream.linear.scatter [tilespmem:s18], [sflag:$0xE], $0x2800, $0x38;
	[tilespmem:$0x1F000] =	vst v63  }
0xb6: {  	_ =	swait.ge [sflag:s19], $0x2800  }
0xb7: {  	[sflag:s19] =	ssyncset.done $0x0  }
0xb8: {  	s8 =	rddreg [dreg:$0x7];
	[sflag:s19] =	ssyncadd.s32 $0xFFFFD800  }
0xb9: {  	[spmem:s8] =	stream.linear.scatter [tilespmem:s18], [sflag:$0xE], $0x2800, $0x38;
	[tilespmem:$0x1F000] =	vst v63  }
0xba: {  	_ =	swait.ge [sflag:s19], $0x2800  }
0xbb: {  	[sflag:s19] =	ssyncset.done $0x0  }
0xbc: {  	[sflag:s19] =	ssyncadd.s32 $0xFFFFD800  }
0xbd: {  	[spmem:s12] =	stream.linear.scatter [tilespmem:s18], [sflag:$0xE], $0x2800, $0x38;
	[tilespmem:$0x1F000] =	vst v63  }
0xbe: {  	_ =	swait.ge [sflag:s19], $0x2800  }
0xbf: {  	[sflag:s19] =	ssyncset.done $0x0  }
0xc0: {  	[sflag:s19] =	ssyncadd.s32 $0xFFFFD800  }
0xc1: {  	[spmem:s13] =	stream.linear.scatter [tilespmem:s18], [sflag:$0xE], $0x2400, $0x38;
	[tilespmem:$0x1F000] =	vst v63  }
0xc2: {  	_ =	swait.ge [sflag:s19], $0x2400  }
0xc3: {  	[sflag:s19] =	ssyncset.done $0x0  }
0xc4: {  	[sflag:s19] =	ssyncadd.s32 $0xFFFFDC00  }
0xc5: {  	s1 =	simm.s32 $0x0;
	[bflag:$0x0] =	sbarrier.arrive $0xFFFF  }
0xc6: {  	[tilespmem:s1], [sflag:$0xE] =	stream.linear.gather [hbm4b:s14+s1], $0x180, $0x38;
	[tilespmem:$0x1F000] =	vst v63  }
0xc7: {  	s8 =	simm.s32 $0x200  }
0xc8: {  	[tilespmem:s8], [sflag:$0xE] =	stream.linear.gather [hbm4b:s20+s1], $0x180, $0x38;
	[tilespmem:$0x1F000] =	vst v63  }
0xc9: {  	s9 =	simm.s32 $0x400;
	s7 =	sadd.s32 $0x80, s14  }
0xca: {  	[tilespmem:s9], [sflag:$0xE] =	stream.linear.gather [hbm4b:s7+s1], $0x180, $0x38;
	[tilespmem:$0x1F000] =	vst v63  }
0xcb: {  	s10 =	simm.s32 $0x600;
	s9 =	sadd.s32 $0xC0, s14  }
0xcc: {  	[tilespmem:s10], [sflag:$0xE] =	stream.linear.gather [hbm4b:s9+s1], $0x180, $0x38;
	[tilespmem:$0x1F000] =	vst v63  }
0xcd: {  	s11 =	sadd.s32 $0x100, s14;
	s21 =	simm.s32 $0x800  }
0xce: {  	[tilespmem:s21], [sflag:$0xE] =	stream.linear.gather [hbm4b:s11+s1], $0x180, $0x38;
	[tilespmem:$0x1F000] =	vst v63  }
0xcf: {  	_ =	swait.ge [sflag:s19], $0x780  }
0xd0: {  	[sflag:s19] =	ssyncset.done $0x0  }
0xd1: {  	[sflag:s19] =	ssyncadd.s32 $0xFFFFF880  }
0xd2: {  	[tilespmem:s18], [sflag:$0x1] =	stream.indirect.gather [hbm4b:s4+s25], $0x80, s1, s25, $0xb8;
	[tilespmem:$0x1F000] =	vst v63  }
0xd3: {  	s26 =	simm.s32 $0x3C00  }
0xd4: {  	[tilespmem:s26], [sflag:$0x2] =	stream.indirect.gather [hbm4b:s4+s25], $0x80, s8, s25, $0xb8;
	[tilespmem:$0x1F000] =	vst v63  }
0xd5: {  	_ =	swait.ge [sflag:s28], $0x2800  }
0xd6: {  	[sflag:s28] =	ssyncset.done $0x0  }
0xd7: {  	s29 =	simm.s32 $0x80;
	[sflag:s28] =	ssyncadd.s32 $0xFFFFD800  }
0xd8: {  	[tilespmem:s18], [sflag:$0x5] =	stream.indirect.gather.add.f32 [hbm:s4], $0x80, s29, s25, $0xb8;
	[tilespmem:$0x1F000] =	vst v63  }
.LBB2_4:
0xd9: {  	s7 =	smul.u32 $0xCD, s1;
	_ =	sdelay $0x1  }
0xda: {  	s9 =	sshrl.u32 s7, $0xA  }
0xdb: {  	s7 =	sand.u32 $0x3F, s9  }
0xdc: {  	s8 =	smul.u32 $0x5, s7;
	_ =	sdelay $0x1  }
0xdd: {  	p0 =	sgt.u32 s1, $0x79;
	s8 =	ssub.s32 s1, s8  }
0xde: {  	s10 =	sand.u32 @!p0 $0xFF, s8  }
0xdf: {  	p1 =	sne.s32 @!p0 s10, $0x2  }
0xe0: {  	p0 =	por p0, p1  }
.Ltmp3:
0xe1: {  	_ = 	snop;
	(pc) =	sbr.rel @p0 .LBB2_6-.Ltmp3, $2  }
0xe2: {  	_ =	sdelay $0x2  }
0xe3: {  	s26 =	sand.u32 $0x1, s9  }
0xe4: {  	s7 =	smul.u32 $0xA00, s7  }
0xe5: {  	s9 =	sxor.u32 $0x1, s26  }
0xe6: {  	s9 =	smul.u32 $0x2800, s9;
	s7 =	sadd.s32 s7, s15  }
0xe7: {  	s7 =	sshrl.u32 s7, $0x3  }
0xe8: {  	s9 =	sshrl.u32 s9, $0x2;
	s7 =	sadd.s32 s5, s7  }
0xe9: {  	[tilespmem:s9], [sflag:$0xD] =	stream.linear.gather [hbm4b:s7+s3], $0x180, $0x38;
	[tilespmem:$0x1F000] =	vst v63  }
0xea: {  	s21 =	sadd.s32 $0x200, s9;
	s10 =	sadd.s32 $0x40, s7  }
0xeb: {  	[tilespmem:s21], [sflag:$0xD] =	stream.linear.gather [hbm4b:s10+s3], $0x180, $0x38;
	[tilespmem:$0x1F000] =	vst v63  }
0xec: {  	s11 =	sadd.s32 $0x400, s9;
	s29 =	sadd.s32 $0x80, s7  }
0xed: {  	[tilespmem:s11], [sflag:$0xD] =	stream.linear.gather [hbm4b:s29+s3], $0x180, $0x38;
	[tilespmem:$0x1F000] =	vst v63  }
0xee: {  	s21 =	sadd.s32 $0xC0, s7;
	s29 =	sadd.s32 $0x600, s9  }
0xef: {  	[tilespmem:s29], [sflag:$0xD] =	stream.linear.gather [hbm4b:s21+s3], $0x180, $0x38;
	[tilespmem:$0x1F000] =	vst v63  }
0xf0: {  	s7 =	sadd.s32 $0x100, s7;
	s9 =	sadd.s32 $0x800, s9  }
0xf1: {  	[tilespmem:s9], [sflag:$0xD] =	stream.linear.gather [hbm4b:s7+s3], $0x180, $0x38;
	[tilespmem:$0x1F000] =	vst v63  }
0xf2: {  	s7 =	sadd.s32 $0x2, s1  }
.LBB2_9:
0xf3: {  	s9 =	smul.u32 $0xCD, s7;
	_ =	sdelay $0x1  }
0xf4: {  	s9 =	sshrl.u32 s9, $0xA  }
0xf5: {  	s10 =	sand.u32 $0x3F, s9  }
0xf6: {  	p1 =	slt.u32 s1, $0x2;
	s10 =	smul.u32 $0x5, s10  }
.Ltmp4:
0xf7: {  	_ = 	snop;
	(pc) =	sbr.rel @p1 .LBB2_11-.Ltmp4, $4  }
.Ltmp5:
0xf8: {  	_ = 	snop;
	(pc) =	sbr.rel @!p1 .LBB2_10-.Ltmp5, $4  }
0xf9: {  	_ = 	snop  }
0xfa: {  	s9 =	sand.u32 $0x1, s9;
	s10 =	ssub.s32 s7, s10  }
0xfb: {  	p0 =	seq.s32 s9, $0x1;
	s7 =	sand.u32 $0x3, s7;
	s9 =	sand.u32 $0xFF, s10  }
0xfc: {  	_ = 	snop  }
.LBB2_6:
0xfd: {  	p0 =	sgt.u32 s1, $0x7A  }
0xfe: {  	s7 =	sand.u32 @!p0 $0xFF, s8  }
0xff: {  	p1 =	sne.s32 @!p0 s7, $0x3  }
0x100: {  	p1 =	por p0, p1  }
.Ltmp6:
0x101: {  	_ = 	snop;
	(pc) =	sbr.rel @p1 .LBB2_8-.Ltmp6, $2  }
0x102: {  	_ =	sdelay $0x2  }
0x103: {  	s7 =	sadd.s32 $0x2, s1  }
0x104: {  	s9 =	smul.u32 $0xCD, s7;
	_ =	sdelay $0x1  }
0x105: {  	s9 =	sshrl.u32 s9, $0xA  }
0x106: {  	s10 =	sand.u32 $0x3F, s9  }
0x107: {  	_ =	swait.ge [sflag:s23], $0x780;
	s10 =	smul.u32 $0x5, s10  }
0x108: {  	[sflag:s23] =	ssyncset.done $0x0  }
0x109: {  	[sflag:s23] =	ssyncadd.s32 $0xFFFFF880;
	s9 =	sand.u32 $0x1, s9;
	s10 =	ssub.s32 s7, s10  }
0x10a: {  	p0 =	seq.s32 s9, $0x1;
	s7 =	sand.u32 $0x3, s7;
	s9 =	sand.u32 $0xFF, s10  }
.LBB2_10:
0x10b: {  	s10 =	sadd.s32 $0x9, s7  }
0x10c: {  	_ =	swait.ge [sflag:s10], $0x2800  }
0x10d: {  	[sflag:s10] =	ssyncset.done $0x0  }
0x10e: {  	[sflag:s10] =	ssyncadd.s32 $0xFFFFD800  }
.LBB2_11:
0x10f: {  	s10 =	smul.u32 $0xA000, s7  }
0x110: {  	s21 =	simm.s32 $0xA00  }
0x111: {  	s9 =	sshll.u32 s9, $0x9;
	s21 =	simm.s32 @!p0 $0x0;
	s10 =	sshrl.u32 s10, $0x2  }
0x112: {  	s29 =	sadd.s32 $0x1, s7;
	s9 =	sadd.s32 s9, s21;
	s10 =	sadd.s32 $0x1400, s10  }
0x113: {  	[tilespmem:s10], [sflag:s29] =	stream.indirect.gather [hbm4b:s4+s25], $0x80, s9, s25, $0xb8;
	[tilespmem:$0x1F000] =	vst v63  }
.LBB2_13:
0x114: {  	s29 =	sadd.s32 $0x1, s1  }
0x115: {  	s7 =	smulhi.u32 $0xCCCCCCCD, s29  }
0x116: {  	s9 =	sand.u32 $0x3, s29  }
0x117: {  	s21 =	smul.u32 $0xA000, s9;
	s7 =	sshrl.u32 s7, $0x2  }
0x118: {  	s10 =	smul.u32 $0x5, s7  }
0x119: {  	s11 =	sadd.s32 $0x1, s9;
	s9 =	sadd.s32 $0x5, s9;
	s7 =	sand.u32 $0x1, s7  }
0x11a: {  	p0 =	seq.s32 s7, $0x1;
	s7 =	simm.s32 $0xA00;
	s10 =	ssub.s32 s29, s10  }
0x11b: {  	_ =	swait.ge [sflag:s11], $0x2800;
	s7 =	simm.s32 @!p0 $0x0;
	s10 =	sshll.u32 s10, $0x9  }
0x11c: {  	s21 =	sshrl.u32 s21, $0x2;
	[sflag:s11] =	ssyncset.done $0x0;
	s7 =	sadd.s32 s10, s7  }
0x11d: {  	s21 =	sadd.s32 $0x1400, s21;
	[sflag:s11] =	ssyncadd.s32 $0xFFFFD800;
	s7 =	sor.u32 $0x80, s7  }
0x11e: {  	[tilespmem:s21], [sflag:s9] =	stream.indirect.gather.add.f32 [hbm:s4], $0x80, s7, s25, $0xb8;
	[tilespmem:$0x1F000] =	vst v63  }
.LBB2_14:
0x11f: {  	s1 =	sand.u32 $0x3, s1  }
0x120: {  	s7 =	sadd.s32 $0x5, s1;
	s9 =	smul.u32 $0xA000, s1  }
0x121: {  	_ =	swait.ge [sflag:s7], $0x2800  }
0x122: {  	[sflag:s7] =	ssyncset.done $0x0;
	s9 =	sshrl.u32 s9, $0x2  }
0x123: {  	[sflag:s7] =	ssyncadd.s32 $0xFFFFD800;
	s7 =	sadd.s32 $0x1600, s9  }
0x124: {  	v1 =	vld [tilespmem:s7+$0xFFFFFE10]  }
0x125: {  	v2 =	vld [tilespmem:s7+$0xFFFFFE20]  }
0x126: {  	v7 =	vld [tilespmem:s7+$0x1F0]  }
0x127: {  	v3 =	vld [tilespmem:s7+$0xFFFFFE30]  }
0x128: {  	v9 =	vld [tilespmem:s7+$0xFFFFFE90]  }
0x129: {  	v10 =	vld [tilespmem:s7+$0xFFFFFEA0]  }
0x12a: {  	v4 =	vld [tilespmem:s7+$0xFFFFFE40];
	v1 =	vmax.f32 v1, $0.0e+00  }
0x12b: {  	v5 =	vld [tilespmem:s7+$0xFFFFFE50];
	v7 =	vmax.f32 v7, $0.0e+00;
	[tilespmem:s7+$0xFFFFFE10] =	vst v1  }
0x12c: {  	v11 =	vld [tilespmem:s7+$0xFFFFFEB0];
	v2 =	vmax.f32 v2, $0.0e+00;
	[tilespmem:s7+$0x1F0] =	vst v7  }
0x12d: {  	v9 =	vmax.f32 v9, $0.0e+00;
	v1 =	vld [tilespmem:s7+$0xFFFFFE70];
	[tilespmem:s7+$0xFFFFFE20] =	vst v2  }
0x12e: {  	v10 =	vmax.f32 v10, $0.0e+00;
	v7 =	vld [tilespmem:s7+$0xFFFFFEC0];
	[tilespmem:s7+$0xFFFFFE90] =	vst v9  }
0x12f: {  	v8 =	vld [tilespmem:s7+$0xFFFFFE80];
	v2 =	vmax.f32 v3, $0.0e+00;
	[tilespmem:s7+$0xFFFFFEA0] =	vst v10  }
0x130: {  	[tilespmem:s7+$0xFFFFFE30] =	vst v2;
	v2 =	vmax.f32 v4, $0.0e+00;
	v4 =	vld [tilespmem:s7+$0xFFFFFF00]  }
0x131: {  	v56 =	vmax.f32 v11, $0.0e+00;
	[tilespmem:s7+$0xFFFFFE40] =	vst v2;
	v2 =	vmax.f32 v5, $0.0e+00;
	v5 =	vld [tilespmem:s7+$0xFFFFFF10]  }
0x132: {  	[tilespmem:s7+$0xFFFFFEB0] =	vst v56;
	v1 =	vmax.f32 v1, $0.0e+00  }
0x133: {  	v6 =	vld [tilespmem:s7+$0xFFFFFE60];
	v7 =	vmax.f32 v7, $0.0e+00;
	[tilespmem:s7+$0xFFFFFE70] =	vst v1  }
0x134: {  	v3 =	vld [tilespmem:s7+$0xFFFFFED0];
	v1 =	vmax.f32 v8, $0.0e+00;
	[tilespmem:s7+$0xFFFFFEC0] =	vst v7  }
0x135: {  	v7 =	vld [tilespmem:s7+$0xFFFFFF90];
	[tilespmem:s7+$0xFFFFFE80] =	vst v1;
	v1 =	vmax.f32 v4, $0.0e+00  }
0x136: {  	v5 =	vmax.f32 v5, $0.0e+00;
	[tilespmem:s7+$0xFFFFFF00] =	vst v1;
	v1 =	vld [tilespmem:s7+$0xFFFFFEE0]  }
0x137: {  	[tilespmem:s7+$0xFFFFFF10] =	vst v5;
	v5 =	vld [tilespmem:s7+$0xFFFFFEF0]  }
0x138: {  	[tilespmem:s7+$0xFFFFFE50] =	vst v2;
	v2 =	vmax.f32 v6, $0.0e+00;
	v6 =	vld [tilespmem:s7+$0xFFFFFF20]  }
0x139: {  	[tilespmem:s7+$0xFFFFFE60] =	vst v2;
	v2 =	vld [tilespmem:s7+$0xFFFFFF30];
	v3 =	vmax.f32 v3, $0.0e+00  }
0x13a: {  	v8 =	vld [tilespmem:s7+$0xFFFFFF40];
	[tilespmem:s7+$0xFFFFFED0] =	vst v3;
	v7 =	vmax.f32 v7, $0.0e+00  }
0x13b: {  	v4 =	vld [tilespmem:s7+$0xFFFFFF50];
	[tilespmem:s7+$0xFFFFFF90] =	vst v7;
	v1 =	vmax.f32 v1, $0.0e+00  }
0x13c: {  	v55 =	vld [tilespmem:s7+$0xFFFFFF60];
	[tilespmem:s7+$0xFFFFFEE0] =	vst v1;
	v1 =	vmax.f32 v5, $0.0e+00  }
0x13d: {  	v57 =	vld [tilespmem:s7+$0xFFFFFF70];
	[tilespmem:s7+$0xFFFFFEF0] =	vst v1;
	v1 =	vmax.f32 v6, $0.0e+00  }
0x13e: {  	v58 =	vld [tilespmem:s7+$0xFFFFFF80];
	[tilespmem:s7+$0xFFFFFF20] =	vst v1;
	v1 =	vmax.f32 v2, $0.0e+00  }
0x13f: {  	[tilespmem:s7+$0xFFFFFF30] =	vst v1;
	v1 =	vmax.f32 v8, $0.0e+00;
	v8 =	vld [tilespmem:s7+$0x0]  }
0x140: {  	[tilespmem:s7+$0xFFFFFF40] =	vst v1;
	v1 =	vmax.f32 v4, $0.0e+00;
	v4 =	vld [tilespmem:s7+$0x10]  }
0x141: {  	v3 =	vld [tilespmem:s7+$0xFFFFFFA0];
	[tilespmem:s7+$0xFFFFFF50] =	vst v1;
	v1 =	vmax.f32 v55, $0.0e+00  }
0x142: {  	v5 =	vld [tilespmem:s7+$0xFFFFFFB0];
	[tilespmem:s7+$0xFFFFFF60] =	vst v1;
	v1 =	vmax.f32 v57, $0.0e+00  }
0x143: {  	v6 =	vld [tilespmem:s7+$0xFFFFFFC0];
	[tilespmem:s7+$0xFFFFFF70] =	vst v1;
	v1 =	vmax.f32 v58, $0.0e+00  }
0x144: {  	v2 =	vld [tilespmem:s7+$0xFFFFFFD0];
	[tilespmem:s7+$0xFFFFFF80] =	vst v1;
	v1 =	vmax.f32 v8, $0.0e+00  }
0x145: {  	[tilespmem:s7+$0x0] =	vst v1;
	v1 =	vld [tilespmem:s7+$0xFFFFFFE0];
	v4 =	vmax.f32 v4, $0.0e+00  }
0x146: {  	v3 =	vmax.f32 v3, $0.0e+00;
	[tilespmem:s7+$0x10] =	vst v4;
	v4 =	vld [tilespmem:s7+$0xFFFFFFF0]  }
0x147: {  	v59 =	vld [tilespmem:s7+$0x20];
	[tilespmem:s7+$0xFFFFFFA0] =	vst v3;
	v3 =	vmax.f32 v5, $0.0e+00  }
0x148: {  	[tilespmem:s7+$0xFFFFFFB0] =	vst v3;
	v3 =	vmax.f32 v6, $0.0e+00;
	v6 =	vld [tilespmem:s7+$0x80]  }
0x149: {  	v60 =	vld [tilespmem:s7+$0x30];
	[tilespmem:s7+$0xFFFFFFC0] =	vst v3;
	v2 =	vmax.f32 v2, $0.0e+00  }
0x14a: {  	v3 =	vld [tilespmem:s7+$0x90];
	[tilespmem:s7+$0xFFFFFFD0] =	vst v2;
	v1 =	vmax.f32 v1, $0.0e+00  }
0x14b: {  	v61 =	vld [tilespmem:s7+$0x40];
	[tilespmem:s7+$0xFFFFFFE0] =	vst v1;
	v1 =	vmax.f32 v4, $0.0e+00  }
0x14c: {  	v8 =	vld [tilespmem:s7+$0x50];
	[tilespmem:s7+$0xFFFFFFF0] =	vst v1;
	v1 =	vmax.f32 v59, $0.0e+00  }
0x14d: {  	v7 =	vld [tilespmem:s7+$0x60];
	[tilespmem:s7+$0x20] =	vst v1;
	v1 =	vmax.f32 v6, $0.0e+00  }
0x14e: {  	v5 =	vld [tilespmem:s7+$0x70];
	[tilespmem:s7+$0x80] =	vst v1;
	v1 =	vmax.f32 v60, $0.0e+00  }
0x14f: {  	v2 =	vld [tilespmem:s7+$0xA0];
	[tilespmem:s7+$0x30] =	vst v1;
	v1 =	vmax.f32 v3, $0.0e+00  }
0x150: {  	v4 =	vld [tilespmem:s7+$0xB0];
	[tilespmem:s7+$0x90] =	vst v1;
	v1 =	vmax.f32 v61, $0.0e+00  }
0x151: {  	v62 =	vld [tilespmem:s7+$0xC0];
	[tilespmem:s7+$0x40] =	vst v1;
	v1 =	vmax.f32 v8, $0.0e+00  }
0x152: {  	[tilespmem:s7+$0x50] =	vst v1;
	v1 =	vmax.f32 v7, $0.0e+00;
	v7 =	vld [tilespmem:s7+$0x100]  }
0x153: {  	v6 =	vld [tilespmem:s7+$0xD0];
	[tilespmem:s7+$0x60] =	vst v1;
	v1 =	vmax.f32 v5, $0.0e+00  }
0x154: {  	v5 =	vld [tilespmem:s7+$0x110];
	[tilespmem:s7+$0x70] =	vst v1;
	v1 =	vmax.f32 v2, $0.0e+00  }
0x155: {  	v3 =	vld [tilespmem:s7+$0xE0];
	[tilespmem:s7+$0xA0] =	vst v1;
	v1 =	vmax.f32 v4, $0.0e+00  }
0x156: {  	v8 =	vld [tilespmem:s7+$0xF0];
	[tilespmem:s7+$0xB0] =	vst v1;
	v1 =	vmax.f32 v62, $0.0e+00  }
0x157: {  	v2 =	vld [tilespmem:s7+$0x120];
	[tilespmem:s7+$0xC0] =	vst v1;
	v1 =	vmax.f32 v7, $0.0e+00  }
0x158: {  	v7 =	vld [tilespmem:s7+$0x150];
	[tilespmem:s7+$0x100] =	vst v1;
	v1 =	vmax.f32 v6, $0.0e+00  }
0x159: {  	v4 =	vld [tilespmem:s7+$0x130];
	[tilespmem:s7+$0xD0] =	vst v1;
	v1 =	vmax.f32 v5, $0.0e+00  }
0x15a: {  	v63 =	vld [tilespmem:s7+$0x140];
	[tilespmem:s7+$0x110] =	vst v1;
	v1 =	vmax.f32 v3, $0.0e+00  }
0x15b: {  	v6 =	vld [tilespmem:s7+$0x170];
	[tilespmem:s7+$0xE0] =	vst v1;
	v1 =	vmax.f32 v8, $0.0e+00  }
0x15c: {  	v5 =	vld [tilespmem:s7+$0x160];
	[tilespmem:s7+$0xF0] =	vst v1;
	v1 =	vmax.f32 v2, $0.0e+00  }
0x15d: {  	v3 =	vld [tilespmem:s7+$0x180];
	v2 =	vmax.f32 v7, $0.0e+00;
	[tilespmem:s7+$0x120] =	vst v1  }
0x15e: {  	v1 =	vmax.f32 v4, $0.0e+00;
	v4 =	vld [tilespmem:s7+$0x190];
	[tilespmem:s7+$0x150] =	vst v2  }
0x15f: {  	v8 =	vld [tilespmem:s7+$0x1A0];
	[tilespmem:s7+$0x130] =	vst v1;
	v1 =	vmax.f32 v63, $0.0e+00  }
0x160: {  	v6 =	vmax.f32 v6, $0.0e+00;
	[tilespmem:s7+$0x140] =	vst v1;
	v1 =	vld [tilespmem:s7+$0x1B0]  }
0x161: {  	v2 =	vld [tilespmem:s7+$0x1C0];
	v5 =	vmax.f32 v5, $0.0e+00;
	[tilespmem:s7+$0x170] =	vst v6  }
0x162: {  	[tilespmem:s7+$0x160] =	vst v5;
	v5 =	vmax.f32 v3, $0.0e+00;
	v3 =	vld [tilespmem:s7+$0x1D0]  }
0x163: {  	s21 =	sand.u32 $0xFF, s8;
	[tilespmem:s7+$0x180] =	vst v5;
	v5 =	vld [tilespmem:s7+$0x1E0];
	v6 =	vmax.f32 v4, $0.0e+00  }
0x164: {  	s8 =	sadd.s32 $0x1400, s9;
	s9 =	simm.s32 $0x0;
	s10 =	sadd.s32 $0x400, s7;
	v4 =	vld [tilespmem:s7+$0xFFFFFE00];
	[tilespmem:s7+$0x190] =	vst v6;
	v6 =	vmax.f32 v8, $0.0e+00  }
.LBB2_15:
0x165: {  	v7 =	vld [tilespmem:s10+$0x1F0];
	s9 =	sadd.s32 $0x8, s9;
	[tilespmem:s7+$0x1A0] =	vst v6;
	v1 =	vmax.f32 v1, $0.0e+00  }
0x166: {  	v6 =	vld [tilespmem:s10+$0xFFFFFE10];
	p0 =	slt.u32 s9, $0x48;
	[tilespmem:s7+$0x1B0] =	vst v1;
	v1 =	vmax.f32 v2, $0.0e+00  }
0x167: {  	v2 =	vld [tilespmem:s10+$0xFFFFFE20];
	[tilespmem:s7+$0x1C0] =	vst v1;
	v1 =	vmax.f32 v3, $0.0e+00  }
0x168: {  	v3 =	vld [tilespmem:s10+$0xFFFFFE30];
	[tilespmem:s7+$0x1D0] =	vst v1;
	v1 =	vmax.f32 v5, $0.0e+00  }
0x169: {  	v5 =	vld [tilespmem:s10+$0xFFFFFE40];
	v4 =	vmax.f32 v4, $0.0e+00;
	[tilespmem:s7+$0x1E0] =	vst v1  }
0x16a: {  	v1 =	vld [tilespmem:s10+$0xFFFFFE50];
	v7 =	vmax.f32 v7, $0.0e+00;
	[tilespmem:s7+$0xFFFFFE00] =	vst v4;
	s7 =	smov.u32 s10  }
0x16b: {  	v4 =	vmax.f32 v6, $0.0e+00;
	v6 =	vld [tilespmem:s10+$0xFFFFFE60];
	[tilespmem:s10+$0x1F0] =	vst v7  }
0x16c: {  	[tilespmem:s10+$0xFFFFFE10] =	vst v4;
	v2 =	vmax.f32 v2, $0.0e+00;
	v4 =	vld [tilespmem:s10+$0xFFFFFE70]  }
0x16d: {  	[tilespmem:s10+$0xFFFFFE20] =	vst v2;
	v2 =	vmax.f32 v3, $0.0e+00;
	v3 =	vld [tilespmem:s10+$0xFFFFFE80]  }
0x16e: {  	[tilespmem:s10+$0xFFFFFE30] =	vst v2;
	v2 =	vmax.f32 v5, $0.0e+00;
	v5 =	vld [tilespmem:s10+$0xFFFFFE90]  }
0x16f: {  	[tilespmem:s10+$0xFFFFFE40] =	vst v2;
	v1 =	vmax.f32 v1, $0.0e+00;
	v2 =	vld [tilespmem:s10+$0xFFFFFEA0]  }
0x170: {  	[tilespmem:s10+$0xFFFFFE50] =	vst v1;
	v1 =	vmax.f32 v6, $0.0e+00;
	v6 =	vld [tilespmem:s10+$0xFFFFFEB0]  }
0x171: {  	[tilespmem:s10+$0xFFFFFE60] =	vst v1;
	v1 =	vmax.f32 v4, $0.0e+00;
	v4 =	vld [tilespmem:s10+$0xFFFFFEC0]  }
0x172: {  	[tilespmem:s10+$0xFFFFFE70] =	vst v1;
	v1 =	vmax.f32 v3, $0.0e+00;
	v3 =	vld [tilespmem:s10+$0xFFFFFED0]  }
0x173: {  	[tilespmem:s10+$0xFFFFFE80] =	vst v1;
	v1 =	vmax.f32 v5, $0.0e+00;
	v5 =	vld [tilespmem:s10+$0xFFFFFEE0]  }
0x174: {  	[tilespmem:s10+$0xFFFFFE90] =	vst v1;
	v1 =	vmax.f32 v2, $0.0e+00;
	v2 =	vld [tilespmem:s10+$0xFFFFFEF0]  }
0x175: {  	[tilespmem:s10+$0xFFFFFEA0] =	vst v1;
	v1 =	vmax.f32 v6, $0.0e+00;
	v6 =	vld [tilespmem:s10+$0xFFFFFF00]  }
0x176: {  	[tilespmem:s10+$0xFFFFFEB0] =	vst v1;
	v1 =	vmax.f32 v4, $0.0e+00;
	v4 =	vld [tilespmem:s10+$0xFFFFFF10]  }
0x177: {  	[tilespmem:s10+$0xFFFFFEC0] =	vst v1;
	v1 =	vmax.f32 v3, $0.0e+00;
	v3 =	vld [tilespmem:s10+$0xFFFFFF20]  }
0x178: {  	[tilespmem:s10+$0xFFFFFED0] =	vst v1;
	v1 =	vmax.f32 v5, $0.0e+00;
	v5 =	vld [tilespmem:s10+$0xFFFFFF30]  }
0x179: {  	[tilespmem:s10+$0xFFFFFEE0] =	vst v1;
	v1 =	vmax.f32 v2, $0.0e+00;
	v2 =	vld [tilespmem:s10+$0xFFFFFF40]  }
0x17a: {  	[tilespmem:s10+$0xFFFFFEF0] =	vst v1;
	v1 =	vmax.f32 v6, $0.0e+00;
	v6 =	vld [tilespmem:s10+$0xFFFFFF50]  }
0x17b: {  	[tilespmem:s10+$0xFFFFFF00] =	vst v1;
	v1 =	vmax.f32 v4, $0.0e+00;
	v4 =	vld [tilespmem:s10+$0xFFFFFF60]  }
0x17c: {  	[tilespmem:s10+$0xFFFFFF10] =	vst v1;
	v1 =	vmax.f32 v3, $0.0e+00;
	v3 =	vld [tilespmem:s10+$0xFFFFFF70]  }
0x17d: {  	[tilespmem:s10+$0xFFFFFF20] =	vst v1;
	v1 =	vmax.f32 v5, $0.0e+00;
	v5 =	vld [tilespmem:s10+$0xFFFFFF80]  }
0x17e: {  	[tilespmem:s10+$0xFFFFFF30] =	vst v1;
	v1 =	vmax.f32 v2, $0.0e+00;
	v2 =	vld [tilespmem:s10+$0xFFFFFF90]  }
0x17f: {  	[tilespmem:s10+$0xFFFFFF40] =	vst v1;
	v1 =	vmax.f32 v6, $0.0e+00;
	v6 =	vld [tilespmem:s10+$0xFFFFFFA0]  }
0x180: {  	[tilespmem:s10+$0xFFFFFF50] =	vst v1;
	v1 =	vmax.f32 v4, $0.0e+00;
	v4 =	vld [tilespmem:s10+$0xFFFFFFB0]  }
0x181: {  	[tilespmem:s10+$0xFFFFFF60] =	vst v1;
	v1 =	vmax.f32 v3, $0.0e+00;
	v3 =	vld [tilespmem:s10+$0xFFFFFFC0]  }
0x182: {  	[tilespmem:s10+$0xFFFFFF70] =	vst v1;
	v1 =	vmax.f32 v5, $0.0e+00;
	v5 =	vld [tilespmem:s10+$0xFFFFFFD0]  }
0x183: {  	[tilespmem:s10+$0xFFFFFF80] =	vst v1;
	v1 =	vmax.f32 v2, $0.0e+00;
	v2 =	vld [tilespmem:s10+$0xFFFFFFE0]  }
0x184: {  	[tilespmem:s10+$0xFFFFFF90] =	vst v1;
	v1 =	vmax.f32 v6, $0.0e+00;
	v6 =	vld [tilespmem:s10+$0xFFFFFFF0]  }
0x185: {  	[tilespmem:s10+$0xFFFFFFA0] =	vst v1;
	v1 =	vmax.f32 v4, $0.0e+00;
	v4 =	vld [tilespmem:s10+$0x0]  }
0x186: {  	[tilespmem:s10+$0xFFFFFFB0] =	vst v1;
	v1 =	vmax.f32 v3, $0.0e+00;
	v3 =	vld [tilespmem:s10+$0x10]  }
0x187: {  	[tilespmem:s10+$0xFFFFFFC0] =	vst v1;
	v1 =	vmax.f32 v5, $0.0e+00;
	v5 =	vld [tilespmem:s10+$0x20]  }
0x188: {  	[tilespmem:s10+$0xFFFFFFD0] =	vst v1;
	v1 =	vmax.f32 v2, $0.0e+00;
	v2 =	vld [tilespmem:s10+$0x30]  }
0x189: {  	[tilespmem:s10+$0xFFFFFFE0] =	vst v1;
	v1 =	vmax.f32 v6, $0.0e+00;
	v6 =	vld [tilespmem:s10+$0x40]  }
0x18a: {  	[tilespmem:s10+$0xFFFFFFF0] =	vst v1;
	v1 =	vmax.f32 v4, $0.0e+00;
	v4 =	vld [tilespmem:s10+$0x50]  }
0x18b: {  	[tilespmem:s10+$0x0] =	vst v1;
	v1 =	vmax.f32 v3, $0.0e+00;
	v3 =	vld [tilespmem:s10+$0x60]  }
0x18c: {  	[tilespmem:s10+$0x10] =	vst v1;
	v1 =	vmax.f32 v5, $0.0e+00;
	v5 =	vld [tilespmem:s10+$0x70]  }
0x18d: {  	[tilespmem:s10+$0x20] =	vst v1;
	v1 =	vmax.f32 v2, $0.0e+00;
	v2 =	vld [tilespmem:s10+$0x80]  }
0x18e: {  	[tilespmem:s10+$0x30] =	vst v1;
	v1 =	vmax.f32 v6, $0.0e+00;
	v6 =	vld [tilespmem:s10+$0x90]  }
0x18f: {  	[tilespmem:s10+$0x40] =	vst v1;
	v1 =	vmax.f32 v4, $0.0e+00;
	v4 =	vld [tilespmem:s10+$0xA0]  }
0x190: {  	[tilespmem:s10+$0x50] =	vst v1;
	v1 =	vmax.f32 v3, $0.0e+00;
	v3 =	vld [tilespmem:s10+$0xB0]  }
0x191: {  	[tilespmem:s10+$0x60] =	vst v1;
	v1 =	vmax.f32 v5, $0.0e+00;
	v5 =	vld [tilespmem:s10+$0xC0]  }
0x192: {  	[tilespmem:s10+$0x70] =	vst v1;
	v1 =	vmax.f32 v2, $0.0e+00;
	v2 =	vld [tilespmem:s10+$0xD0]  }
0x193: {  	[tilespmem:s10+$0x80] =	vst v1;
	v1 =	vmax.f32 v6, $0.0e+00;
	v6 =	vld [tilespmem:s10+$0xE0]  }
0x194: {  	[tilespmem:s10+$0x90] =	vst v1;
	v1 =	vmax.f32 v4, $0.0e+00;
	v4 =	vld [tilespmem:s10+$0xF0]  }
0x195: {  	[tilespmem:s10+$0xA0] =	vst v1;
	v1 =	vmax.f32 v3, $0.0e+00;
	v3 =	vld [tilespmem:s10+$0x100]  }
0x196: {  	[tilespmem:s10+$0xB0] =	vst v1;
	v1 =	vmax.f32 v5, $0.0e+00;
	v5 =	vld [tilespmem:s10+$0x110]  }
0x197: {  	[tilespmem:s10+$0xC0] =	vst v1;
	v1 =	vmax.f32 v2, $0.0e+00;
	v2 =	vld [tilespmem:s10+$0x120]  }
0x198: {  	[tilespmem:s10+$0xD0] =	vst v1;
	v1 =	vmax.f32 v6, $0.0e+00;
	v6 =	vld [tilespmem:s10+$0x130]  }
0x199: {  	[tilespmem:s10+$0xE0] =	vst v1;
	v1 =	vmax.f32 v4, $0.0e+00;
	v4 =	vld [tilespmem:s10+$0x140]  }
0x19a: {  	[tilespmem:s10+$0xF0] =	vst v1;
	v1 =	vmax.f32 v3, $0.0e+00;
	v3 =	vld [tilespmem:s10+$0x150]  }
0x19b: {  	[tilespmem:s10+$0x100] =	vst v1;
	v1 =	vmax.f32 v5, $0.0e+00;
	v5 =	vld [tilespmem:s10+$0x160]  }
0x19c: {  	[tilespmem:s10+$0x110] =	vst v1;
	v1 =	vmax.f32 v2, $0.0e+00;
	v2 =	vld [tilespmem:s10+$0x170]  }
0x19d: {  	[tilespmem:s10+$0x120] =	vst v1;
	v1 =	vmax.f32 v6, $0.0e+00;
	v6 =	vld [tilespmem:s10+$0x180]  }
0x19e: {  	[tilespmem:s10+$0x130] =	vst v1;
	v1 =	vmax.f32 v4, $0.0e+00;
	v4 =	vld [tilespmem:s10+$0x190]  }
0x19f: {  	[tilespmem:s10+$0x140] =	vst v1;
	v1 =	vmax.f32 v3, $0.0e+00;
	v7 =	vld [tilespmem:s10+$0x1A0]  }
.Ltmp7:
0x1a0: {  	[tilespmem:s10+$0x150] =	vst v1;
	v3 =	vmax.f32 v5, $0.0e+00;
	v1 =	vld [tilespmem:s10+$0x1B0];
	(pc) =	sbr.rel @p0 .LBB2_15-.Ltmp7, $4  }
0x1a1: {  	[tilespmem:s10+$0x160] =	vst v3;
	v3 =	vmax.f32 v2, $0.0e+00;
	v2 =	vld [tilespmem:s10+$0x1C0]  }
0x1a2: {  	[tilespmem:s10+$0x170] =	vst v3;
	v5 =	vmax.f32 v6, $0.0e+00;
	v3 =	vld [tilespmem:s10+$0x1D0]  }
0x1a3: {  	[tilespmem:s10+$0x180] =	vst v5;
	v6 =	vmax.f32 v4, $0.0e+00;
	v5 =	vld [tilespmem:s10+$0x1E0]  }
0x1a4: {  	s10 =	sadd.s32 $0x400, s10;
	v4 =	vld [tilespmem:s7+$0xFFFFFE00];
	[tilespmem:s7+$0x190] =	vst v6;
	v6 =	vmax.f32 v7, $0.0e+00  }
0x1a5: {  	[tilespmem:s7+$0x1A0] =	vst v6;
	v1 =	vmax.f32 v1, $0.0e+00  }
0x1a6: {  	s9 =	smul.u32 $0x2800, s26;
	[tilespmem:s7+$0x1B0] =	vst v1;
	v1 =	vmax.f32 v2, $0.0e+00  }
0x1a7: {  	p0 =	slt.u32 s29, $0x7D;
	[tilespmem:s7+$0x1C0] =	vst v1;
	v1 =	vmax.f32 v3, $0.0e+00  }
.Ltmp8:
0x1a8: {  	s10 =	sshll.u32 s21, $0x9;
	s9 =	sshrl.u32 s9, $0x2;
	[tilespmem:s7+$0x1D0] =	vst v1;
	v1 =	vmax.f32 v5, $0.0e+00;
	(pc) =	sbr.rel @p0 .LBB2_4-.Ltmp8, $4  }
.Ltmp9:
0x1a9: {  	s9 =	sadd.s32 s10, s9;
	v2 =	vmax.f32 v4, $0.0e+00;
	[tilespmem:s7+$0x1E0] =	vst v1;
	(pc) =	sbr.rel @!p0 .LBB2_17-.Ltmp9, $4  }
0x1aa: {  	s1 =	sadd.s32 $0x9, s1;
	s26 =	sor.u32 $0x100, s9;
	[tilespmem:s7+$0xFFFFFE00] =	vst v2  }
0x1ab: {  	[spmem:s2] =	stream.indirect.scatter.add.f32 [tilespmem:s8], [sflag:s1], $0x80, s26, s25, $0xb8;
	[tilespmem:$0x1F000] =	vst v63  }
0x1ac: {  	s1 =	smov.u32 s29  }
0x1ad: {  	_ = 	snop  }
.LBB2_8:
.Ltmp10:
0x1ae: {  	(pc) =	sbr.rel @!p0 .LBB2_9-.Ltmp10, $1  }
0x1af: {  	_ =	sdelay $0x3  }
0x1b0: {  	p0 =	seq.s32 s1, $0x7C  }
.Ltmp11:
0x1b1: {  	_ = 	snop;
	(pc) =	sbr.rel @p0 .LBB2_14-.Ltmp11, $4  }
.Ltmp12:
0x1b2: {  	_ = 	snop;
	(pc) =	sbr.rel @!p0 .LBB2_13-.Ltmp12, $4  }
0x1b3: {  	_ = 	snop  }
0x1b4: {  	_ = 	snop  }
0x1b5: {  	s29 =	simm.s32 $0x7D  }
0x1b6: {  	_ = 	snop  }
.LBB2_18:
0x1b7: {  	_ =	sfence.sel $0x180000  }
0x1b8: {  	[bflag:$0x0] =	sbarrier.arrive $0xFFFF  }
0x1b9: {  	_ =	strace $0x90000047  }
0x1ba: {  	s0 =	stileid.u32;
	[bflag:$0x2] =	sbarrier.arrive $0xFFFF  }
0x1bb: {  	p0 =	sne.s32 s0, $0x0;
	s0 =	rddreg [dreg:$0x2]  }
0x1bc: {  	s0 =	sadd.s32 @!p0 $0x100000, s0  }
0x1bd: {  	[sflag:s0] =	ssyncadd.tile.s32 @!p0 $0x1;
	_ =	shalt  }
.Lfunc_end2:
_tile_overlayer_lowered:
.L_overlay_start_2:
0x1be: {  	(tag) =	ssettag $0x2  }
0x1bf: {  	s0 =	rddreg [dreg:$0x0];
	s2 =	stileid.u32  }
0x1c0: {  	s1 =	rddreg [dreg:$0x1];
	p0 =	sne.s32 s2, $0x0  }
0x1c1: {  	s3 =	rddreg [dreg:$0x2];
	[bflag:$0x3] =	sbarrier.arrive $0xFFFF;
	s2 =	simm.s32 @!p0 $0x1C0E  }
0x1c2: {  	[timem:s3], [sflag:s2] =	dma.local @!p0 [hbm:s0], s1  }
0x1c3: {  	s0 =	simm.s32 @!p0 $0xE  }
0x1c4: {  	_ =	swait.ge @!p0 [sflag:s0], s1  }
0x1c5: {  	s1 =	ssub.s32 @!p0 $0x0, s1;
	[sflag:s0] =	ssyncset.done @!p0 $0x0  }
0x1c6: {  	[sflag:s0] =	ssyncadd.s32 @!p0 s1  }
0x1c7: {  	[bflag:$0x3] =	sbarrier.arrive $0xFFFF  }
0x1c8: {  	_ =	shalt  }

</sc_bundles>
